<compile_context>
chip_gen: v7x
topology: tpu7x:2x2x1
jax: 0.10.2.dev20260603
libtpu: 0.0.44.dev20260713+nightly
codegen_flags: <defaults>
</compile_context>

<pallas_src>
import functools

import jax
import jax.numpy as jnp
from jax import lax
from jax.experimental import pallas as pl
from jax.experimental.pallas import tpu as pltpu
from jax.experimental.pallas import tpu_sc as plsc

N = 10000
E = 320000
D = 128
NC = 2
NS = 16
CH = 128
NP = 10240
RPT = NP // NS
NCHUNK = 80
EPT = NCHUNK * CH
EH = NS * EPT
EPP = NC * EH
EROWS = EPP // CH
CPT = EH // CH
G = 16
NG = NCHUNK // G
NB = 2

_mesh = plsc.VectorSubcoreMesh(core_axis_name="c", subcore_axis_name="s")



@functools.partial(
    pl.kernel,
    out_type=jax.ShapeDtypeStruct((NC, NP), jnp.float32),
    mesh=_mesh,
    scratch_types=[
        pltpu.VMEM((NCHUNK, CH), jnp.int32),
        pltpu.VMEM((CH,), jnp.float32),
        pltpu.VMEM((RPT,), jnp.float32),
        pltpu.VMEM_SHARED((NP,), jnp.float32),
        pltpu.SemaphoreType.DMA,
    ],
)
def _deg_call(src_hbm, out_hbm, idx_v, ones_v, zbuf_v, deg_sh, sem):
    cc = lax.axis_index("c")
    ss = lax.axis_index("s")

    def fill(i, _):
        zbuf_v[pl.ds(i * 16, 16)] = jnp.zeros((16,), jnp.float32)
        return 0
    lax.fori_loop(0, RPT // 16, fill, 0)

    def fill1(i, _):
        ones_v[pl.ds(i * 16, 16)] = jnp.ones((16,), jnp.float32)
        return 0
    lax.fori_loop(0, CH // 16, fill1, 0)

    rowbase = cc * CPT + ss * NCHUNK
    pltpu.sync_copy(src_hbm.at[pl.ds(rowbase, NCHUNK)], idx_v)
    pltpu.sync_copy(zbuf_v, deg_sh.at[pl.ds(ss * RPT, RPT)])
    plsc.subcore_barrier()

    def fire(j, _):
        pltpu.async_copy(ones_v, deg_sh.at[idx_v.at[j]], sem, add=True)
        return 0
    lax.fori_loop(0, NCHUNK, fire, 0)

    def drain(j, _):
        pltpu.make_async_copy(ones_v, deg_sh.at[idx_v.at[0]], sem).wait()
        return 0
    lax.fori_loop(0, NCHUNK, drain, 0)

    plsc.subcore_barrier()
    pltpu.sync_copy(deg_sh.at[pl.ds(ss * RPT, RPT)],
                    out_hbm.at[cc, pl.ds(ss * RPT, RPT)])



_BR = 2048

def _mm_body(x_ref, w_ref, d0_ref, d1_ref, y_ref):
    deg = d0_ref[...] + d1_ref[...]
    dinv = jnp.where(deg > 0.0, 1.0 / deg, 0.0)
    xw = jnp.dot(x_ref[...], w_ref[...], preferred_element_type=jnp.float32)
    y_ref[...] = xw * dinv


_mm_call = pl.pallas_call(
    _mm_body,
    grid=(NP // _BR,),
    in_specs=[
        pl.BlockSpec((_BR, D), lambda i: (i, 0)),
        pl.BlockSpec((D, D), lambda i: (0, 0)),
        pl.BlockSpec((_BR, 1), lambda i: (i, 0)),
        pl.BlockSpec((_BR, 1), lambda i: (i, 0)),
    ],
    out_specs=pl.BlockSpec((_BR, D), lambda i: (i, 0)),
    out_shape=jax.ShapeDtypeStruct((NP, D), jnp.float32),
)



@functools.partial(
    pl.kernel,
    out_type=jax.ShapeDtypeStruct((NC, NP, D), jnp.float32),
    mesh=_mesh,
    scratch_types=[
        pltpu.VMEM((2 * G, CH), jnp.int32),
        pltpu.VMEM((2 * G, CH), jnp.int32),
        pltpu.VMEM((NB, CH, D), jnp.float32),
        pltpu.VMEM_SHARED((NP, D), jnp.float32),
        pltpu.SemaphoreType.DMA,
        pltpu.SemaphoreType.DMA,
        pltpu.SemaphoreType.DMA,
    ],
)
def _gs_call(y_hbm, src_hbm, dst_hbm, out_hbm, sidx_v, didx_v, rows_v,
             acc_sh, sem0, sem1, isem):
    cc = lax.axis_index("c")
    ss = lax.axis_index("s")
    sems = [sem0, sem1]
    rowbase = cc * CPT + ss * NCHUNK

    def fill(i, _):
        r = i // (D // 16)
        c = i % (D // 16)
        rows_v[0, r, pl.ds(c * 16, 16)] = jnp.zeros((16,), jnp.float32)
        return 0
    lax.fori_loop(0, CH * (D // 16), fill, 0)

    def zcopy(k, _):
        pltpu.async_copy(rows_v.at[0],
                         acc_sh.at[pl.ds(ss * RPT + k * CH, CH)], isem)
        return 0
    lax.fori_loop(0, RPT // CH, zcopy, 0)
    pltpu.sync_copy(src_hbm.at[pl.ds(rowbase, G)], sidx_v.at[pl.ds(0, G)])
    pltpu.sync_copy(dst_hbm.at[pl.ds(rowbase, G)], didx_v.at[pl.ds(0, G)])

    def zdrain(k, _):
        pltpu.make_async_copy(rows_v.at[0],
                              acc_sh.at[pl.ds(ss * RPT, CH)], isem).wait()
        return 0
    lax.fori_loop(0, RPT // CH, zdrain, 0)
    plsc.subcore_barrier()

    def issue_gather(brow, k):
        pltpu.async_copy(y_hbm.at[sidx_v.at[brow]], rows_v.at[k], sems[k])

    def wait_gather(k):
        pltpu.make_async_copy(y_hbm.at[sidx_v.at[0]], rows_v.at[k],
                              sems[k]).wait()

    for k in range(NB):
        issue_gather(k, k)

    def group(g, _):
        gb = (g % 2) * G
        nb_ = ((g + 1) % 2) * G

        @pl.when(g + 1 < NG)
        def _():
            nxt = rowbase + (g + 1) * G
            pltpu.async_copy(src_hbm.at[pl.ds(nxt, G)],
                             sidx_v.at[pl.ds(nb_, G)], isem)
            pltpu.async_copy(dst_hbm.at[pl.ds(nxt, G)],
                             didx_v.at[pl.ds(nb_, G)], isem)

        def step(t, _):
            for k in range(NB):
                i = t * NB + k
                wait_gather(k)
                pltpu.sync_copy(rows_v.at[k], acc_sh.at[didx_v.at[gb + i]],
                                add=True)
                issue_gather(gb + i + NB, k)
            return 0
        lax.fori_loop(0, G // NB - 1, step, 0)

        for k in range(NB):
            i = G - NB + k
            wait_gather(k)
            pltpu.sync_copy(rows_v.at[k], acc_sh.at[didx_v.at[gb + i]],
                            add=True)
            if k == 0:
                @pl.when(g + 1 < NG)
                def _():
                    pltpu.make_async_copy(
                        src_hbm.at[pl.ds(rowbase, G)],
                        sidx_v.at[pl.ds(nb_, G)], isem).wait()
                    pltpu.make_async_copy(
                        dst_hbm.at[pl.ds(rowbase, G)],
                        didx_v.at[pl.ds(nb_, G)], isem).wait()

            @pl.when(g + 1 < NG)
            def _():
                issue_gather(nb_ + i + NB - G, k)
        return 0
    lax.fori_loop(0, NG, group, 0)

    plsc.subcore_barrier()
    pltpu.sync_copy(acc_sh.at[pl.ds(ss * RPT, RPT)],
                    out_hbm.at[cc, pl.ds(ss * RPT, RPT)])



_BO = 2000

def _comb_body(p_ref, b_ref, o_ref):
    o_ref[...] = p_ref[0] + p_ref[1] + b_ref[...]


_comb_call = pl.pallas_call(
    _comb_body,
    grid=(N // _BO,),
    in_specs=[
        pl.BlockSpec((NC, _BO, D), lambda i: (0, i, 0)),
        pl.BlockSpec((1, D), lambda i: (0, 0)),
    ],
    out_specs=pl.BlockSpec((_BO, D), lambda i: (i, 0)),
    out_shape=jax.ShapeDtypeStruct((N, D), jnp.float32),
)


def kernel(x, edge_index, W, b):
    src = edge_index[0].astype(jnp.int32)
    dst = edge_index[1].astype(jnp.int32)
    pad = N + jnp.arange(EPP - E, dtype=jnp.int32) % (NP - N)
    src_p = jnp.concatenate([src, pad]).reshape(EROWS, CH)
    dst_p = jnp.concatenate([dst, pad]).reshape(EROWS, CH)
    x_p = jnp.concatenate([x, jnp.zeros((NP - N, D), x.dtype)])

    degs = _deg_call(src_p)
    d0 = degs[0].reshape(NP, 1)
    d1 = degs[1].reshape(NP, 1)
    y = _mm_call(x_p, W, d0, d1)
    parts = _gs_call(y, src_p, dst_p)
    return _comb_call(parts, b.reshape(1, D))

# --- scband reference (transcript-rebuilt; emitter-appended) ---
"""Pipeline reference for scband-control-gcnconv-3143916060939 (READ-ONLY COPY).

The authoritative reference and input builder live on the scoring server;
editing this copy changes nothing except your own understanding.
"""

import jax, jax.numpy as jnp
import numpy as np

N_NODES = 10000
N_EDGES = 320000
IN_CH = 128
OUT_CH = 128

def setup_inputs(seed: int = 0) -> dict:
    key = jax.random.key(seed)
    k1, k2, k3, k4 = jax.random.split(key, 4)
    x = jax.random.normal(k1, (N_NODES, IN_CH), dtype=jnp.float32)
    edge_index = jax.random.randint(k2, (2, N_EDGES), 0, N_NODES, dtype=jnp.int64)
    # GCNConv linear layer params (glorot-like init) and bias
    W = jax.random.normal(k3, (IN_CH, OUT_CH), dtype=jnp.float32) / np.sqrt(IN_CH)
    b = jnp.zeros((OUT_CH,), dtype=jnp.float32)
    return {"x": x, "edge_index": edge_index, "W": W, "b": b}

def reference(x, edge_index, W, b):
    src = edge_index[0]
    dst = edge_index[1]
    # _row_normalize: deg over source nodes, inverse with inf->0, per-edge weight
    ones = jnp.ones((src.shape[0],), dtype=x.dtype)
    deg = jax.ops.segment_sum(ones, src, num_segments=N_NODES)
    deg_inv = jnp.where(deg == 0.0, 0.0, 1.0 / deg)
    edge_weight = deg_inv[src]
    # GCNConv with add_self_loops=False, normalize=False:
    # x' = W x, messages = edge_weight * x'_src, sum-aggregated at dst, + bias
    xw = x @ W
    msgs = edge_weight[:, None] * jnp.take(xw, src, axis=0)
    out = jax.ops.segment_sum(msgs, dst, num_segments=N_NODES)
    out = out + b
    return out

if __name__ == "__main__":
    import jax
    _d = setup_inputs()
    print(jax.jit(kernel)(*tuple(_d.values())))

</pallas_src>

<mosaic_0001>
#map = affine_map<(d0, d1) -> (0, 0)>
module attributes {stable_mosaic.version = 14 : i64} {
  func.func @_deg_call(%arg0: i32, %arg1: i32, %arg2: memref<2560x128xi32, #tpu.memory_space<hbm>>, %arg3: memref<2x10240xf32, #tpu.memory_space<hbm>>, %arg4: memref<80x128xi32, #tpu.memory_space<vmem>>, %arg5: memref<128xf32, #tpu.memory_space<vmem>>, %arg6: memref<640xf32, #tpu.memory_space<vmem>>, %arg7: memref<10240xf32, #tpu.memory_space<vmem_shared>>, %arg8: memref<!tpu.dma_semaphore, #tpu.memory_space<semaphore_mem>>) attributes {dimension_semantics = [#tpu.dimension_semantics<core_parallel>, #tpu.dimension_semantics<subcore_parallel>], iteration_bounds = array<i64: 2, 16>, scalar_prefetch = 0 : i64, scratch_operands = 5 : i64, tpu.core_type = #tpu.core_type<sc_vector_subcore>, window_params = [{transform_indices = #map}, {transform_indices = #map}]} {
    %scan3A = arith.constant 0 : i32
    %scan3A_0 = arith.constant 0 : i32
    %scan3A_1 = arith.constant 40 : i32
    %scan3A_2 = arith.addi %scan3A_0, %scan3A_1 : i32
    %scan3A_3 = arith.constant 1 : i32
    %scan3A_4 = scf.for %scan3A_37 = %scan3A_0 to %scan3A_2 step %scan3A_3 iter_args(%scan3A_38 = %scan3A) -> (i32)  : i32 {
      %broadcast_in_dim3A = arith.constant 0.000000e+00 : f32
      %broadcast_in_dim3A_39 = vector.broadcast %broadcast_in_dim3A : f32 to vector<16xf32>
      %mul3A_40 = arith.constant 16 : i32
      %mul3A_41 = arith.muli %scan3A_37, %mul3A_40 : i32
      %swap3A = arith.index_cast %mul3A_41 : i32 to index
      %swap3A_42 = tpu.vector_load %arg6[%swap3A] {strides = array<i32>} : memref<640xf32, #tpu.memory_space<vmem>>, vector<16xf32>,
      %swap3A_43 = vector.shape_cast %swap3A_42 : vector<16xf32> to vector<16xf32>
      %swap3A_44 = vector.shape_cast %broadcast_in_dim3A_39 : vector<16xf32> to vector<16xf32>
      tpu.vector_store %arg6[%swap3A], %swap3A_44 {strides = array<i32>} : memref<640xf32, #tpu.memory_space<vmem>>, vector<16xf32>,
      %scan3A_45 = arith.constant 0 : i32
      scf.yield %scan3A_45 : i32
    }
    %scan3A_5 = arith.constant 40 : i32
    %scan3A_6 = arith.constant 0 : i32
    %scan3A_7 = arith.constant 0 : i32
    %scan3A_8 = arith.constant 8 : i32
    %scan3A_9 = arith.addi %scan3A_7, %scan3A_8 : i32
    %scan3A_10 = arith.constant 1 : i32
    %scan3A_11 = scf.for %scan3A_37 = %scan3A_7 to %scan3A_9 step %scan3A_10 iter_args(%scan3A_38 = %scan3A_6) -> (i32)  : i32 {
      %broadcast_in_dim3A = arith.constant 1.000000e+00 : f32
      %broadcast_in_dim3A_39 = vector.broadcast %broadcast_in_dim3A : f32 to vector<16xf32>
      %mul3A_40 = arith.constant 16 : i32
      %mul3A_41 = arith.muli %scan3A_37, %mul3A_40 : i32
      %swap3A = arith.index_cast %mul3A_41 : i32 to index
      %swap3A_42 = tpu.vector_load %arg5[%swap3A] {strides = array<i32>} : memref<128xf32, #tpu.memory_space<vmem>>, vector<16xf32>,
      %swap3A_43 = vector.shape_cast %swap3A_42 : vector<16xf32> to vector<16xf32>
      %swap3A_44 = vector.shape_cast %broadcast_in_dim3A_39 : vector<16xf32> to vector<16xf32>
      tpu.vector_store %arg5[%swap3A], %swap3A_44 {strides = array<i32>} : memref<128xf32, #tpu.memory_space<vmem>>, vector<16xf32>,
      %scan3A_45 = arith.constant 0 : i32
      scf.yield %scan3A_45 : i32
    }
    %scan3A_12 = arith.constant 8 : i32
    %mul3A = arith.constant 1280 : i32
    %mul3A_13 = arith.muli %arg0, %mul3A : i32
    %mul3A_14 = arith.constant 80 : i32
    %mul3A_15 = arith.muli %arg1, %mul3A_14 : i32
    %add3A = arith.addi %mul3A_13, %mul3A_15 : i32
    "tpu.region"() ({
      %run_scoped3A = tpu.sem_alloc : memref<!tpu.dma_semaphore, #tpu.memory_space<semaphore_mem>>
      %dma_start3A = arith.constant 0 : i32
      %dma_start3A_37 = tpu.memref_slice %arg2[%add3A, %dma_start3A] : memref<2560x128xi32, #tpu.memory_space<hbm>> -> memref<80x128xi32, #tpu.memory_space<hbm>>
      %dma_start3A_38 = arith.constant 0 : i32
      %dma_start3A_39 = tpu.memref_slice %arg2[%add3A, %dma_start3A_38] : memref<2560x128xi32, #tpu.memory_space<hbm>> -> memref<80x128xi32, #tpu.memory_space<hbm>>
      tpu.enqueue_dma source(%dma_start3A_39 : memref<80x128xi32, #tpu.memory_space<hbm>>) target(%arg4 : memref<80x128xi32, #tpu.memory_space<vmem>>) target_semaphore(%run_scoped3A : memref<!tpu.dma_semaphore, #tpu.memory_space<semaphore_mem>>)
      %dma_wait3A = arith.constant 0 : i32
      %dma_wait3A_40 = tpu.memref_slice %arg2[%add3A, %dma_wait3A] : memref<2560x128xi32, #tpu.memory_space<hbm>> -> memref<80x128xi32, #tpu.memory_space<hbm>>
      %dma_wait3A_41 = arith.constant 0 : i32
      %dma_wait3A_42 = tpu.memref_slice %arg2[%add3A, %dma_wait3A_41] : memref<2560x128xi32, #tpu.memory_space<hbm>> -> memref<80x128xi32, #tpu.memory_space<hbm>>
      tpu.wait_dma2 semaphore(%run_scoped3A : memref<!tpu.dma_semaphore, #tpu.memory_space<semaphore_mem>>) src(%dma_wait3A_42 : memref<80x128xi32, #tpu.memory_space<hbm>>) dst(%arg4 : memref<80x128xi32, #tpu.memory_space<vmem>>)
      tpu.yield
    }) : () -> ()
    %mul3A_16 = arith.constant 640 : i32
    %mul3A_17 = arith.muli %arg1, %mul3A_16 : i32
    "tpu.region"() ({
      %run_scoped3A = tpu.sem_alloc : memref<!tpu.dma_semaphore, #tpu.memory_space<semaphore_mem>>
      %dma_start3A = tpu.memref_slice %arg7[%mul3A_17] : memref<10240xf32, #tpu.memory_space<vmem_shared>> -> memref<640xf32, #tpu.memory_space<vmem_shared>>
      %dma_start3A_37 = tpu.memref_slice %arg7[%mul3A_17] : memref<10240xf32, #tpu.memory_space<vmem_shared>> -> memref<640xf32, #tpu.memory_space<vmem_shared>>
      tpu.enqueue_dma source(%arg6 : memref<640xf32, #tpu.memory_space<vmem>>) target(%dma_start3A_37 : memref<640xf32, #tpu.memory_space<vmem_shared>>) target_semaphore(%run_scoped3A : memref<!tpu.dma_semaphore, #tpu.memory_space<semaphore_mem>>)
      %dma_wait3A = tpu.memref_slice %arg7[%mul3A_17] : memref<10240xf32, #tpu.memory_space<vmem_shared>> -> memref<640xf32, #tpu.memory_space<vmem_shared>>
      %dma_wait3A_38 = tpu.memref_slice %arg7[%mul3A_17] : memref<10240xf32, #tpu.memory_space<vmem_shared>> -> memref<640xf32, #tpu.memory_space<vmem_shared>>
      tpu.wait_dma2 semaphore(%run_scoped3A : memref<!tpu.dma_semaphore, #tpu.memory_space<semaphore_mem>>) src(%arg6 : memref<640xf32, #tpu.memory_space<vmem>>) dst(%dma_wait3A_38 : memref<640xf32, #tpu.memory_space<vmem_shared>>)
      tpu.yield
    }) : () -> ()
    %barrier3A = arith.constant 0 : index
    tpu.barrier barrier_id(%barrier3A)
    %scan3A_18 = arith.constant 0 : i32
    %scan3A_19 = arith.constant 0 : i32
    %scan3A_20 = arith.constant 80 : i32
    %scan3A_21 = arith.addi %scan3A_19, %scan3A_20 : i32
    %scan3A_22 = arith.constant 1 : i32
    %scan3A_23 = scf.for %scan3A_37 = %scan3A_19 to %scan3A_21 step %scan3A_22 iter_args(%scan3A_38 = %scan3A_18) -> (i32)  : i32 {
      %dma_start3A = arith.constant 0 : i32
      %dma_start3A_39 = tpu.memref_slice %arg4[%scan3A_37, %dma_start3A] : memref<80x128xi32, #tpu.memory_space<vmem>> -> memref<1x128xi32, #tpu.memory_space<vmem>>
      %dma_start3A_40 = tpu.memref_squeeze %dma_start3A_39 : memref<1x128xi32, #tpu.memory_space<vmem>> -> memref<128xi32, #tpu.memory_space<vmem>>
      %dma_start3A_41 = arith.constant 0 : i32
      %dma_start3A_42 = tpu.memref_slice %arg7[%dma_start3A_41] : memref<10240xf32, #tpu.memory_space<vmem_shared>> -> memref<10240xf32, #tpu.memory_space<vmem_shared>>
      tpu.enqueue_indirect_dma source(%arg5 : memref<128xf32, #tpu.memory_space<vmem>>) target(%dma_start3A_42 : memref<10240xf32, #tpu.memory_space<vmem_shared>>) offsets(%dma_start3A_40 : memref<128xi32, #tpu.memory_space<vmem>>) semaphore(%arg8 : memref<!tpu.dma_semaphore, #tpu.memory_space<semaphore_mem>>) {add = true}
      %scan3A_43 = arith.constant 0 : i32
      scf.yield %scan3A_43 : i32
    }
    %scan3A_24 = arith.constant 80 : i32
    %scan3A_25 = arith.constant 0 : i32
    %scan3A_26 = arith.constant 0 : i32
    %scan3A_27 = arith.constant 80 : i32
    %scan3A_28 = arith.addi %scan3A_26, %scan3A_27 : i32
    %scan3A_29 = arith.constant 1 : i32
    %scan3A_30 = scf.for %scan3A_37 = %scan3A_26 to %scan3A_28 step %scan3A_29 iter_args(%scan3A_38 = %scan3A_25) -> (i32)  : i32 {
      %dma_wait3A = arith.constant 0 : i32
      %dma_wait3A_39 = arith.constant 0 : i32
      %dma_wait3A_40 = tpu.memref_slice %arg4[%dma_wait3A, %dma_wait3A_39] : memref<80x128xi32, #tpu.memory_space<vmem>> -> memref<1x128xi32, #tpu.memory_space<vmem>>
      %dma_wait3A_41 = tpu.memref_squeeze %dma_wait3A_40 : memref<1x128xi32, #tpu.memory_space<vmem>> -> memref<128xi32, #tpu.memory_space<vmem>>
      %dma_wait3A_42 = arith.constant 0 : i32
      %dma_wait3A_43 = tpu.memref_slice %arg7[%dma_wait3A_42] : memref<10240xf32, #tpu.memory_space<vmem_shared>> -> memref<10240xf32, #tpu.memory_space<vmem_shared>>
      tpu.wait_indirect_dma semaphore(%arg8 : memref<!tpu.dma_semaphore, #tpu.memory_space<semaphore_mem>>) src(%arg5 : memref<128xf32, #tpu.memory_space<vmem>>) dst(%dma_wait3A_43 : memref<10240xf32, #tpu.memory_space<vmem_shared>>)
      %scan3A_44 = arith.constant 0 : i32
      scf.yield %scan3A_44 : i32
    }
    %scan3A_31 = arith.constant 80 : i32
    %barrier3A_32 = arith.constant 0 : index
    tpu.barrier barrier_id(%barrier3A_32)
    %mul3A_33 = arith.constant 640 : i32
    %mul3A_34 = arith.muli %arg1, %mul3A_33 : i32
    %mul3A_35 = arith.constant 640 : i32
    %mul3A_36 = arith.muli %arg1, %mul3A_35 : i32
    "tpu.region"() ({
      %run_scoped3A = tpu.sem_alloc : memref<!tpu.dma_semaphore, #tpu.memory_space<semaphore_mem>>
      %dma_start3A = tpu.memref_slice %arg3[%arg0, %mul3A_36] : memref<2x10240xf32, #tpu.memory_space<hbm>> -> memref<1x640xf32, #tpu.memory_space<hbm>>
      %dma_start3A_37 = tpu.memref_squeeze %dma_start3A : memref<1x640xf32, #tpu.memory_space<hbm>> -> memref<640xf32, #tpu.memory_space<hbm>>
      %dma_start3A_38 = tpu.memref_slice %arg7[%mul3A_34] : memref<10240xf32, #tpu.memory_space<vmem_shared>> -> memref<640xf32, #tpu.memory_space<vmem_shared>>
      tpu.enqueue_dma source(%dma_start3A_38 : memref<640xf32, #tpu.memory_space<vmem_shared>>) target(%dma_start3A_37 : memref<640xf32, #tpu.memory_space<hbm>>) target_semaphore(%run_scoped3A : memref<!tpu.dma_semaphore, #tpu.memory_space<semaphore_mem>>)
      %dma_wait3A = tpu.memref_slice %arg3[%arg0, %mul3A_36] : memref<2x10240xf32, #tpu.memory_space<hbm>> -> memref<1x640xf32, #tpu.memory_space<hbm>>
      %dma_wait3A_39 = tpu.memref_squeeze %dma_wait3A : memref<1x640xf32, #tpu.memory_space<hbm>> -> memref<640xf32, #tpu.memory_space<hbm>>
      %dma_wait3A_40 = tpu.memref_slice %arg7[%mul3A_34] : memref<10240xf32, #tpu.memory_space<vmem_shared>> -> memref<640xf32, #tpu.memory_space<vmem_shared>>
      tpu.wait_dma2 semaphore(%run_scoped3A : memref<!tpu.dma_semaphore, #tpu.memory_space<semaphore_mem>>) src(%dma_wait3A_40 : memref<640xf32, #tpu.memory_space<vmem_shared>>) dst(%dma_wait3A_39 : memref<640xf32, #tpu.memory_space<hbm>>)
      tpu.yield
    }) : () -> ()
    return
  }
}

#map = affine_map<(d0, d1) -> (0, 0)>
#map1 = affine_map<(d0, d1) -> (0, 0, 0)>
module attributes {stable_mosaic.version = 14 : i64} {
  func.func @_gs_call(%arg0: i32, %arg1: i32, %arg2: memref<10240x128xf32, #tpu.memory_space<hbm>>, %arg3: memref<2560x128xi32, #tpu.memory_space<hbm>>, %arg4: memref<2560x128xi32, #tpu.memory_space<hbm>>, %arg5: memref<2x10240x128xf32, #tpu.memory_space<hbm>>, %arg6: memref<32x128xi32, #tpu.memory_space<vmem>>, %arg7: memref<32x128xi32, #tpu.memory_space<vmem>>, %arg8: memref<2x128x128xf32, #tpu.memory_space<vmem>>, %arg9: memref<10240x128xf32, #tpu.memory_space<vmem_shared>>, %arg10: memref<!tpu.dma_semaphore, #tpu.memory_space<semaphore_mem>>, %arg11: memref<!tpu.dma_semaphore, #tpu.memory_space<semaphore_mem>>, %arg12: memref<!tpu.dma_semaphore, #tpu.memory_space<semaphore_mem>>) attributes {dimension_semantics = [#tpu.dimension_semantics<core_parallel>, #tpu.dimension_semantics<subcore_parallel>], iteration_bounds = array<i64: 2, 16>, scalar_prefetch = 0 : i64, scratch_operands = 7 : i64, tpu.core_type = #tpu.core_type<sc_vector_subcore>, window_params = [{transform_indices = #map}, {transform_indices = #map}, {transform_indices = #map}, {transform_indices = #map1}]} {
    %mul3A = arith.constant 1280 : i32
    %mul3A_0 = arith.muli %arg0, %mul3A : i32
    %mul3A_1 = arith.constant 80 : i32
    %mul3A_2 = arith.muli %arg1, %mul3A_1 : i32
    %add3A = arith.addi %mul3A_0, %mul3A_2 : i32
    %scan3A = arith.constant 0 : i32
    %scan3A_3 = arith.constant 0 : i32
    %scan3A_4 = arith.constant 1024 : i32
    %scan3A_5 = arith.addi %scan3A_3, %scan3A_4 : i32
    %scan3A_6 = arith.constant 1 : i32
    %scan3A_7 = scf.for %scan3A_58 = %scan3A_3 to %scan3A_5 step %scan3A_6 iter_args(%scan3A_59 = %scan3A) -> (i32)  : i32 {
      %jit3A = arith.constant 8 : i32
      %div3A = arith.divsi %scan3A_58, %jit3A : i32
      %sign3A = arith.constant 0 : i32
      %sign3A_60 = arith.cmpi sgt, %scan3A_58, %sign3A : i32
      %sign3A_61 = arith.extui %sign3A_60 : i1 to i32
      %sign3A_62 = arith.constant 0 : i32
      %sign3A_63 = arith.cmpi slt, %scan3A_58, %sign3A_62 : i32
      %sign3A_64 = arith.extui %sign3A_63 : i1 to i32
      %sign3A_65 = arith.subi %sign3A_61, %sign3A_64 : i32
      %sign3A_66 = arith.constant 0 : i32
      %sign3A_67 = arith.cmpi sgt, %jit3A, %sign3A_66 : i32
      %sign3A_68 = arith.extui %sign3A_67 : i1 to i32
      %sign3A_69 = arith.constant 0 : i32
      %sign3A_70 = arith.cmpi slt, %jit3A, %sign3A_69 : i32
      %sign3A_71 = arith.extui %sign3A_70 : i1 to i32
      %sign3A_72 = arith.subi %sign3A_68, %sign3A_71 : i32
      %ne3A = arith.cmpi ne, %sign3A_65, %sign3A_72 : i32
      %rem3A = arith.remsi %scan3A_58, %jit3A : i32
      %ne3A_73 = arith.constant 0 : i32
      %ne3A_74 = arith.cmpi ne, %rem3A, %ne3A_73 : i32
      %and3A = arith.andi %ne3A, %ne3A_74 : i1
      %sub3A = arith.constant 1 : i32
      %sub3A_75 = arith.subi %div3A, %sub3A : i32
      %select_n3A = arith.select %and3A, %sub3A_75, %div3A : i32
      %jit3A_76 = arith.constant 8 : i32
      %eq3A = arith.constant 0 : i32
      %eq3A_77 = arith.cmpi eq, %jit3A_76, %eq3A : i32
      %jit3A_78 = arith.constant 1 : i32
      %select_n3A_79 = arith.select %eq3A_77, %jit3A_78, %jit3A_76 : i32
      %rem3A_80 = arith.remsi %scan3A_58, %select_n3A_79 : i32
      %ne3A_81 = arith.constant 0 : i32
      %ne3A_82 = arith.cmpi ne, %rem3A_80, %ne3A_81 : i32
      %lt3A = arith.constant 0 : i32
      %lt3A_83 = arith.cmpi slt, %rem3A_80, %lt3A : i32
      %lt3A_84 = arith.constant 0 : i32
      %lt3A_85 = arith.cmpi slt, %select_n3A_79, %lt3A_84 : i32
      %ne3A_86 = arith.xori %lt3A_83, %lt3A_85 : i1
      %and3A_87 = arith.andi %ne3A_86, %ne3A_82 : i1
      %add3A_88 = arith.addi %rem3A_80, %select_n3A_79 : i32
      %select_n3A_89 = arith.select %and3A_87, %add3A_88, %rem3A_80 : i32
      %broadcast_in_dim3A = arith.constant 0.000000e+00 : f32
      %broadcast_in_dim3A_90 = vector.broadcast %broadcast_in_dim3A : f32 to vector<16xf32>
      %mul3A_91 = arith.constant 16 : i32
      %mul3A_92 = arith.muli %select_n3A_89, %mul3A_91 : i32
      %swap3A = arith.constant 0 : i32
      %swap3A_93 = arith.index_cast %swap3A : i32 to index
      %swap3A_94 = arith.index_cast %select_n3A : i32 to index
      %swap3A_95 = arith.index_cast %mul3A_92 : i32 to index
      %swap3A_96 = tpu.vector_load %arg8[%swap3A_93, %swap3A_94, %swap3A_95] {strides = array<i32>} : memref<2x128x128xf32, #tpu.memory_space<vmem>>, vector<1x1x16xf32>,
      %swap3A_97 = vector.shape_cast %swap3A_96 : vector<1x1x16xf32> to vector<16xf32>
      %swap3A_98 = vector.shape_cast %broadcast_in_dim3A_90 : vector<16xf32> to vector<1x1x16xf32>
      tpu.vector_store %arg8[%swap3A_93, %swap3A_94, %swap3A_95], %swap3A_98 {strides = array<i32>} : memref<2x128x128xf32, #tpu.memory_space<vmem>>, vector<1x1x16xf32>,
      %scan3A_99 = arith.constant 0 : i32
      scf.yield %scan3A_99 : i32
    }
    %scan3A_8 = arith.constant 1024 : i32
    %scan3A_9 = arith.constant 0 : i32
    %scan3A_10 = arith.constant 0 : i32
    %scan3A_11 = arith.constant 5 : i32
    %scan3A_12 = arith.addi %scan3A_10, %scan3A_11 : i32
    %scan3A_13 = arith.constant 1 : i32
    %scan3A_14 = scf.for %scan3A_58 = %scan3A_10 to %scan3A_12 step %scan3A_13 iter_args(%scan3A_59 = %scan3A_9) -> (i32)  : i32 {
      %mul3A_60 = arith.constant 640 : i32
      %mul3A_61 = arith.muli %arg1, %mul3A_60 : i32
      %mul3A_62 = arith.constant 128 : i32
      %mul3A_63 = arith.muli %scan3A_58, %mul3A_62 : i32
      %add3A_64 = arith.addi %mul3A_61, %mul3A_63 : i32
      %dma_start3A_65 = arith.constant 0 : i32
      %dma_start3A_66 = arith.constant 0 : i32
      %dma_start3A_67 = arith.constant 0 : i32
      %dma_start3A_68 = tpu.memref_slice %arg8[%dma_start3A_65, %dma_start3A_66, %dma_start3A_67] : memref<2x128x128xf32, #tpu.memory_space<vmem>> -> memref<1x128x128xf32, #tpu.memory_space<vmem>>
      %dma_start3A_69 = tpu.memref_squeeze %dma_start3A_68 : memref<1x128x128xf32, #tpu.memory_space<vmem>> -> memref<128x128xf32, #tpu.memory_space<vmem>>
      %dma_start3A_70 = arith.constant 0 : i32
      %dma_start3A_71 = tpu.memref_slice %arg9[%add3A_64, %dma_start3A_70] : memref<10240x128xf32, #tpu.memory_space<vmem_shared>> -> memref<128x128xf32, #tpu.memory_space<vmem_shared>>
      %dma_start3A_72 = arith.constant 0 : i32
      %dma_start3A_73 = tpu.memref_slice %arg9[%add3A_64, %dma_start3A_72] : memref<10240x128xf32, #tpu.memory_space<vmem_shared>> -> memref<128x128xf32, #tpu.memory_space<vmem_shared>>
      %dma_start3A_74 = arith.constant 0 : i32
      %dma_start3A_75 = arith.constant 0 : i32
      %dma_start3A_76 = tpu.memref_slice %arg8[%dma_start3A_65, %dma_start3A_74, %dma_start3A_75] : memref<2x128x128xf32, #tpu.memory_space<vmem>> -> memref<1x128x128xf32, #tpu.memory_space<vmem>>
      %dma_start3A_77 = tpu.memref_squeeze %dma_start3A_76 : memref<1x128x128xf32, #tpu.memory_space<vmem>> -> memref<128x128xf32, #tpu.memory_space<vmem>>
      tpu.enqueue_dma source(%dma_start3A_77 : memref<128x128xf32, #tpu.memory_space<vmem>>) target(%dma_start3A_73 : memref<128x128xf32, #tpu.memory_space<vmem_shared>>) target_semaphore(%arg12 : memref<!tpu.dma_semaphore, #tpu.memory_space<semaphore_mem>>)
      %scan3A_78 = arith.constant 0 : i32
      scf.yield %scan3A_78 : i32
    }
    %scan3A_15 = arith.constant 5 : i32
    "tpu.region"() ({
      %run_scoped3A = tpu.sem_alloc : memref<!tpu.dma_semaphore, #tpu.memory_space<semaphore_mem>>
      %dma_start3A_58 = arith.constant 0 : i32
      %dma_start3A_59 = arith.constant 0 : i32
      %dma_start3A_60 = tpu.memref_slice %arg6[%dma_start3A_58, %dma_start3A_59] : memref<32x128xi32, #tpu.memory_space<vmem>> -> memref<16x128xi32, #tpu.memory_space<vmem>>
      %dma_start3A_61 = arith.constant 0 : i32
      %dma_start3A_62 = tpu.memref_slice %arg3[%add3A, %dma_start3A_61] : memref<2560x128xi32, #tpu.memory_space<hbm>> -> memref<16x128xi32, #tpu.memory_space<hbm>>
      %dma_start3A_63 = arith.constant 0 : i32
      %dma_start3A_64 = arith.constant 0 : i32
      %dma_start3A_65 = tpu.memref_slice %arg6[%dma_start3A_63, %dma_start3A_64] : memref<32x128xi32, #tpu.memory_space<vmem>> -> memref<16x128xi32, #tpu.memory_space<vmem>>
      %dma_start3A_66 = arith.constant 0 : i32
      %dma_start3A_67 = tpu.memref_slice %arg3[%add3A, %dma_start3A_66] : memref<2560x128xi32, #tpu.memory_space<hbm>> -> memref<16x128xi32, #tpu.memory_space<hbm>>
      tpu.enqueue_dma source(%dma_start3A_67 : memref<16x128xi32, #tpu.memory_space<hbm>>) target(%dma_start3A_65 : memref<16x128xi32, #tpu.memory_space<vmem>>) target_semaphore(%run_scoped3A : memref<!tpu.dma_semaphore, #tpu.memory_space<semaphore_mem>>)
      %dma_wait3A = arith.constant 0 : i32
      %dma_wait3A_68 = arith.constant 0 : i32
      %dma_wait3A_69 = tpu.memref_slice %arg6[%dma_wait3A, %dma_wait3A_68] : memref<32x128xi32, #tpu.memory_space<vmem>> -> memref<16x128xi32, #tpu.memory_space<vmem>>
      %dma_wait3A_70 = arith.constant 0 : i32
      %dma_wait3A_71 = tpu.memref_slice %arg3[%add3A, %dma_wait3A_70] : memref<2560x128xi32, #tpu.memory_space<hbm>> -> memref<16x128xi32, #tpu.memory_space<hbm>>
      %dma_wait3A_72 = arith.constant 0 : i32
      %dma_wait3A_73 = arith.constant 0 : i32
      %dma_wait3A_74 = tpu.memref_slice %arg6[%dma_wait3A_72, %dma_wait3A_73] : memref<32x128xi32, #tpu.memory_space<vmem>> -> memref<16x128xi32, #tpu.memory_space<vmem>>
      %dma_wait3A_75 = arith.constant 0 : i32
      %dma_wait3A_76 = tpu.memref_slice %arg3[%add3A, %dma_wait3A_75] : memref<2560x128xi32, #tpu.memory_space<hbm>> -> memref<16x128xi32, #tpu.memory_space<hbm>>
      tpu.wait_dma2 semaphore(%run_scoped3A : memref<!tpu.dma_semaphore, #tpu.memory_space<semaphore_mem>>) src(%dma_wait3A_76 : memref<16x128xi32, #tpu.memory_space<hbm>>) dst(%dma_wait3A_74 : memref<16x128xi32, #tpu.memory_space<vmem>>)
      tpu.yield
    }) : () -> ()
    "tpu.region"() ({
      %run_scoped3A = tpu.sem_alloc : memref<!tpu.dma_semaphore, #tpu.memory_space<semaphore_mem>>
      %dma_start3A_58 = arith.constant 0 : i32
      %dma_start3A_59 = arith.constant 0 : i32
      %dma_start3A_60 = tpu.memref_slice %arg7[%dma_start3A_58, %dma_start3A_59] : memref<32x128xi32, #tpu.memory_space<vmem>> -> memref<16x128xi32, #tpu.memory_space<vmem>>
      %dma_start3A_61 = arith.constant 0 : i32
      %dma_start3A_62 = tpu.memref_slice %arg4[%add3A, %dma_start3A_61] : memref<2560x128xi32, #tpu.memory_space<hbm>> -> memref<16x128xi32, #tpu.memory_space<hbm>>
      %dma_start3A_63 = arith.constant 0 : i32
      %dma_start3A_64 = arith.constant 0 : i32
      %dma_start3A_65 = tpu.memref_slice %arg7[%dma_start3A_63, %dma_start3A_64] : memref<32x128xi32, #tpu.memory_space<vmem>> -> memref<16x128xi32, #tpu.memory_space<vmem>>
      %dma_start3A_66 = arith.constant 0 : i32
      %dma_start3A_67 = tpu.memref_slice %arg4[%add3A, %dma_start3A_66] : memref<2560x128xi32, #tpu.memory_space<hbm>> -> memref<16x128xi32, #tpu.memory_space<hbm>>
      tpu.enqueue_dma source(%dma_start3A_67 : memref<16x128xi32, #tpu.memory_space<hbm>>) target(%dma_start3A_65 : memref<16x128xi32, #tpu.memory_space<vmem>>) target_semaphore(%run_scoped3A : memref<!tpu.dma_semaphore, #tpu.memory_space<semaphore_mem>>)
      %dma_wait3A = arith.constant 0 : i32
      %dma_wait3A_68 = arith.constant 0 : i32
      %dma_wait3A_69 = tpu.memref_slice %arg7[%dma_wait3A, %dma_wait3A_68] : memref<32x128xi32, #tpu.memory_space<vmem>> -> memref<16x128xi32, #tpu.memory_space<vmem>>
      %dma_wait3A_70 = arith.constant 0 : i32
      %dma_wait3A_71 = tpu.memref_slice %arg4[%add3A, %dma_wait3A_70] : memref<2560x128xi32, #tpu.memory_space<hbm>> -> memref<16x128xi32, #tpu.memory_space<hbm>>
      %dma_wait3A_72 = arith.constant 0 : i32
      %dma_wait3A_73 = arith.constant 0 : i32
      %dma_wait3A_74 = tpu.memref_slice %arg7[%dma_wait3A_72, %dma_wait3A_73] : memref<32x128xi32, #tpu.memory_space<vmem>> -> memref<16x128xi32, #tpu.memory_space<vmem>>
      %dma_wait3A_75 = arith.constant 0 : i32
      %dma_wait3A_76 = tpu.memref_slice %arg4[%add3A, %dma_wait3A_75] : memref<2560x128xi32, #tpu.memory_space<hbm>> -> memref<16x128xi32, #tpu.memory_space<hbm>>
      tpu.wait_dma2 semaphore(%run_scoped3A : memref<!tpu.dma_semaphore, #tpu.memory_space<semaphore_mem>>) src(%dma_wait3A_76 : memref<16x128xi32, #tpu.memory_space<hbm>>) dst(%dma_wait3A_74 : memref<16x128xi32, #tpu.memory_space<vmem>>)
      tpu.yield
    }) : () -> ()
    %scan3A_16 = arith.constant 0 : i32
    %scan3A_17 = arith.constant 0 : i32
    %scan3A_18 = arith.constant 5 : i32
    %scan3A_19 = arith.addi %scan3A_17, %scan3A_18 : i32
    %scan3A_20 = arith.constant 1 : i32
    %scan3A_21 = scf.for %scan3A_58 = %scan3A_17 to %scan3A_19 step %scan3A_20 iter_args(%scan3A_59 = %scan3A_16) -> (i32)  : i32 {
      %mul3A_60 = arith.constant 640 : i32
      %mul3A_61 = arith.muli %arg1, %mul3A_60 : i32
      %dma_wait3A = arith.constant 0 : i32
      %dma_wait3A_62 = arith.constant 0 : i32
      %dma_wait3A_63 = arith.constant 0 : i32
      %dma_wait3A_64 = tpu.memref_slice %arg8[%dma_wait3A, %dma_wait3A_62, %dma_wait3A_63] : memref<2x128x128xf32, #tpu.memory_space<vmem>> -> memref<1x128x128xf32, #tpu.memory_space<vmem>>
      %dma_wait3A_65 = tpu.memref_squeeze %dma_wait3A_64 : memref<1x128x128xf32, #tpu.memory_space<vmem>> -> memref<128x128xf32, #tpu.memory_space<vmem>>
      %dma_wait3A_66 = arith.constant 0 : i32
      %dma_wait3A_67 = tpu.memref_slice %arg9[%mul3A_61, %dma_wait3A_66] : memref<10240x128xf32, #tpu.memory_space<vmem_shared>> -> memref<128x128xf32, #tpu.memory_space<vmem_shared>>
      %dma_wait3A_68 = arith.constant 0 : i32
      %dma_wait3A_69 = tpu.memref_slice %arg9[%mul3A_61, %dma_wait3A_68] : memref<10240x128xf32, #tpu.memory_space<vmem_shared>> -> memref<128x128xf32, #tpu.memory_space<vmem_shared>>
      %dma_wait3A_70 = arith.constant 0 : i32
      %dma_wait3A_71 = arith.constant 0 : i32
      %dma_wait3A_72 = tpu.memref_slice %arg8[%dma_wait3A, %dma_wait3A_70, %dma_wait3A_71] : memref<2x128x128xf32, #tpu.memory_space<vmem>> -> memref<1x128x128xf32, #tpu.memory_space<vmem>>
      %dma_wait3A_73 = tpu.memref_squeeze %dma_wait3A_72 : memref<1x128x128xf32, #tpu.memory_space<vmem>> -> memref<128x128xf32, #tpu.memory_space<vmem>>
      tpu.wait_dma2 semaphore(%arg12 : memref<!tpu.dma_semaphore, #tpu.memory_space<semaphore_mem>>) src(%dma_wait3A_73 : memref<128x128xf32, #tpu.memory_space<vmem>>) dst(%dma_wait3A_69 : memref<128x128xf32, #tpu.memory_space<vmem_shared>>)
      %scan3A_74 = arith.constant 0 : i32
      scf.yield %scan3A_74 : i32
    }
    %scan3A_22 = arith.constant 5 : i32
    %barrier3A = arith.constant 0 : index
    tpu.barrier barrier_id(%barrier3A)
    %dma_start3A = arith.constant 0 : i32
    %dma_start3A_23 = arith.constant 0 : i32
    %dma_start3A_24 = arith.constant 0 : i32
    %dma_start3A_25 = arith.constant 0 : i32
    %dma_start3A_26 = tpu.memref_slice %arg8[%dma_start3A_23, %dma_start3A_24, %dma_start3A_25] : memref<2x128x128xf32, #tpu.memory_space<vmem>> -> memref<1x128x128xf32, #tpu.memory_space<vmem>>
    %dma_start3A_27 = tpu.memref_squeeze %dma_start3A_26 : memref<1x128x128xf32, #tpu.memory_space<vmem>> -> memref<128x128xf32, #tpu.memory_space<vmem>>
    %dma_start3A_28 = arith.constant 0 : i32
    %dma_start3A_29 = tpu.memref_slice %arg6[%dma_start3A, %dma_start3A_28] : memref<32x128xi32, #tpu.memory_space<vmem>> -> memref<1x128xi32, #tpu.memory_space<vmem>>
    %dma_start3A_30 = tpu.memref_squeeze %dma_start3A_29 : memref<1x128xi32, #tpu.memory_space<vmem>> -> memref<128xi32, #tpu.memory_space<vmem>>
    %dma_start3A_31 = arith.constant 0 : i32
    %dma_start3A_32 = arith.constant 0 : i32
    %dma_start3A_33 = tpu.memref_slice %arg2[%dma_start3A_31, %dma_start3A_32] : memref<10240x128xf32, #tpu.memory_space<hbm>> -> memref<10240x128xf32, #tpu.memory_space<hbm>>
    tpu.enqueue_indirect_dma source(%dma_start3A_33 : memref<10240x128xf32, #tpu.memory_space<hbm>>) target(%dma_start3A_27 : memref<128x128xf32, #tpu.memory_space<vmem>>) offsets(%dma_start3A_30 : memref<128xi32, #tpu.memory_space<vmem>>) semaphore(%arg10 : memref<!tpu.dma_semaphore, #tpu.memory_space<semaphore_mem>>)
    %dma_start3A_34 = arith.constant 1 : i32
    %dma_start3A_35 = arith.constant 1 : i32
    %dma_start3A_36 = arith.constant 0 : i32
    %dma_start3A_37 = arith.constant 0 : i32
    %dma_start3A_38 = tpu.memref_slice %arg8[%dma_start3A_35, %dma_start3A_36, %dma_start3A_37] : memref<2x128x128xf32, #tpu.memory_space<vmem>> -> memref<1x128x128xf32, #tpu.memory_space<vmem>>
    %dma_start3A_39 = tpu.memref_squeeze %dma_start3A_38 : memref<1x128x128xf32, #tpu.memory_space<vmem>> -> memref<128x128xf32, #tpu.memory_space<vmem>>
    %dma_start3A_40 = arith.constant 0 : i32
    %dma_start3A_41 = tpu.memref_slice %arg6[%dma_start3A_34, %dma_start3A_40] : memref<32x128xi32, #tpu.memory_space<vmem>> -> memref<1x128xi32, #tpu.memory_space<vmem>>
    %dma_start3A_42 = tpu.memref_squeeze %dma_start3A_41 : memref<1x128xi32, #tpu.memory_space<vmem>> -> memref<128xi32, #tpu.memory_space<vmem>>
    %dma_start3A_43 = arith.constant 0 : i32
    %dma_start3A_44 = arith.constant 0 : i32
    %dma_start3A_45 = tpu.memref_slice %arg2[%dma_start3A_43, %dma_start3A_44] : memref<10240x128xf32, #tpu.memory_space<hbm>> -> memref<10240x128xf32, #tpu.memory_space<hbm>>
    tpu.enqueue_indirect_dma source(%dma_start3A_45 : memref<10240x128xf32, #tpu.memory_space<hbm>>) target(%dma_start3A_39 : memref<128x128xf32, #tpu.memory_space<vmem>>) offsets(%dma_start3A_42 : memref<128xi32, #tpu.memory_space<vmem>>) semaphore(%arg11 : memref<!tpu.dma_semaphore, #tpu.memory_space<semaphore_mem>>)
    %scan3A_46 = arith.constant 0 : i32
    %scan3A_47 = arith.constant 0 : i32
    %scan3A_48 = arith.constant 5 : i32
    %scan3A_49 = arith.addi %scan3A_47, %scan3A_48 : i32
    %scan3A_50 = arith.constant 1 : i32
    %scan3A_51 = scf.for %scan3A_58 = %scan3A_47 to %scan3A_49 step %scan3A_50 iter_args(%scan3A_59 = %scan3A_46) -> (i32)  : i32 {
      %jit3A = arith.constant 2 : i32
      %eq3A = arith.constant 0 : i32
      %eq3A_60 = arith.cmpi eq, %jit3A, %eq3A : i32
      %jit3A_61 = arith.constant 1 : i32
      %select_n3A = arith.select %eq3A_60, %jit3A_61, %jit3A : i32
      %rem3A = arith.remsi %scan3A_58, %select_n3A : i32
      %ne3A = arith.constant 0 : i32
      %ne3A_62 = arith.cmpi ne, %rem3A, %ne3A : i32
      %lt3A = arith.constant 0 : i32
      %lt3A_63 = arith.cmpi slt, %rem3A, %lt3A : i32
      %lt3A_64 = arith.constant 0 : i32
      %lt3A_65 = arith.cmpi slt, %select_n3A, %lt3A_64 : i32
      %ne3A_66 = arith.xori %lt3A_63, %lt3A_65 : i1
      %and3A = arith.andi %ne3A_66, %ne3A_62 : i1
      %add3A_67 = arith.addi %rem3A, %select_n3A : i32
      %select_n3A_68 = arith.select %and3A, %add3A_67, %rem3A : i32
      %mul3A_69 = arith.constant 16 : i32
      %mul3A_70 = arith.muli %select_n3A_68, %mul3A_69 : i32
      %add3A_71 = arith.constant 1 : i32
      %add3A_72 = arith.addi %scan3A_58, %add3A_71 : i32
      %jit3A_73 = arith.constant 2 : i32
      %eq3A_74 = arith.constant 0 : i32
      %eq3A_75 = arith.cmpi eq, %jit3A_73, %eq3A_74 : i32
      %jit3A_76 = arith.constant 1 : i32
      %select_n3A_77 = arith.select %eq3A_75, %jit3A_76, %jit3A_73 : i32
      %rem3A_78 = arith.remsi %add3A_72, %select_n3A_77 : i32
      %ne3A_79 = arith.constant 0 : i32
      %ne3A_80 = arith.cmpi ne, %rem3A_78, %ne3A_79 : i32
      %lt3A_81 = arith.constant 0 : i32
      %lt3A_82 = arith.cmpi slt, %rem3A_78, %lt3A_81 : i32
      %lt3A_83 = arith.constant 0 : i32
      %lt3A_84 = arith.cmpi slt, %select_n3A_77, %lt3A_83 : i32
      %ne3A_85 = arith.xori %lt3A_82, %lt3A_84 : i1
      %and3A_86 = arith.andi %ne3A_85, %ne3A_80 : i1
      %add3A_87 = arith.addi %rem3A_78, %select_n3A_77 : i32
      %select_n3A_88 = arith.select %and3A_86, %add3A_87, %rem3A_78 : i32
      %mul3A_89 = arith.constant 16 : i32
      %mul3A_90 = arith.muli %select_n3A_88, %mul3A_89 : i32
      %add3A_91 = arith.constant 1 : i32
      %add3A_92 = arith.addi %scan3A_58, %add3A_91 : i32
      %lt3A_93 = arith.constant 5 : i32
      %lt3A_94 = arith.cmpi slt, %add3A_92, %lt3A_93 : i32
      %convert_element_type3A = arith.extui %lt3A_94 : i1 to i32
      %cond3A = arith.constant 0 : i32
      %cond3A_95 = arith.cmpi ne, %convert_element_type3A, %cond3A : i32
      scf.if %cond3A_95 {
        %add3A_153 = arith.constant 1 : i32
        %add3A_154 = arith.addi %scan3A_58, %add3A_153 : i32
        %mul3A_155 = arith.constant 16 : i32
        %mul3A_156 = arith.muli %add3A_154, %mul3A_155 : i32
        %add3A_157 = arith.addi %add3A, %mul3A_156 : i32
        %dma_start3A_158 = arith.constant 0 : i32
        %dma_start3A_159 = tpu.memref_slice %arg6[%mul3A_90, %dma_start3A_158] : memref<32x128xi32, #tpu.memory_space<vmem>> -> memref<16x128xi32, #tpu.memory_space<vmem>>
        %dma_start3A_160 = arith.constant 0 : i32
        %dma_start3A_161 = tpu.memref_slice %arg3[%add3A_157, %dma_start3A_160] : memref<2560x128xi32, #tpu.memory_space<hbm>> -> memref<16x128xi32, #tpu.memory_space<hbm>>
        %dma_start3A_162 = arith.constant 0 : i32
        %dma_start3A_163 = tpu.memref_slice %arg6[%mul3A_90, %dma_start3A_162] : memref<32x128xi32, #tpu.memory_space<vmem>> -> memref<16x128xi32, #tpu.memory_space<vmem>>
        %dma_start3A_164 = arith.constant 0 : i32
        %dma_start3A_165 = tpu.memref_slice %arg3[%add3A_157, %dma_start3A_164] : memref<2560x128xi32, #tpu.memory_space<hbm>> -> memref<16x128xi32, #tpu.memory_space<hbm>>
        tpu.enqueue_dma source(%dma_start3A_165 : memref<16x128xi32, #tpu.memory_space<hbm>>) target(%dma_start3A_163 : memref<16x128xi32, #tpu.memory_space<vmem>>) target_semaphore(%arg12 : memref<!tpu.dma_semaphore, #tpu.memory_space<semaphore_mem>>)
        %dma_start3A_166 = arith.constant 0 : i32
        %dma_start3A_167 = tpu.memref_slice %arg7[%mul3A_90, %dma_start3A_166] : memref<32x128xi32, #tpu.memory_space<vmem>> -> memref<16x128xi32, #tpu.memory_space<vmem>>
        %dma_start3A_168 = arith.constant 0 : i32
        %dma_start3A_169 = tpu.memref_slice %arg4[%add3A_157, %dma_start3A_168] : memref<2560x128xi32, #tpu.memory_space<hbm>> -> memref<16x128xi32, #tpu.memory_space<hbm>>
        %dma_start3A_170 = arith.constant 0 : i32
        %dma_start3A_171 = tpu.memref_slice %arg7[%mul3A_90, %dma_start3A_170] : memref<32x128xi32, #tpu.memory_space<vmem>> -> memref<16x128xi32, #tpu.memory_space<vmem>>
        %dma_start3A_172 = arith.constant 0 : i32
        %dma_start3A_173 = tpu.memref_slice %arg4[%add3A_157, %dma_start3A_172] : memref<2560x128xi32, #tpu.memory_space<hbm>> -> memref<16x128xi32, #tpu.memory_space<hbm>>
        tpu.enqueue_dma source(%dma_start3A_173 : memref<16x128xi32, #tpu.memory_space<hbm>>) target(%dma_start3A_171 : memref<16x128xi32, #tpu.memory_space<vmem>>) target_semaphore(%arg12 : memref<!tpu.dma_semaphore, #tpu.memory_space<semaphore_mem>>)
      } else {
      }
      %scan3A_96 = arith.constant 0 : i32
      %scan3A_97 = arith.constant 0 : i32
      %scan3A_98 = arith.constant 7 : i32
      %scan3A_99 = arith.addi %scan3A_97, %scan3A_98 : i32
      %scan3A_100 = arith.constant 1 : i32
      %scan3A_101 = scf.for %scan3A_153 = %scan3A_97 to %scan3A_99 step %scan3A_100 iter_args(%scan3A_154 = %scan3A_96) -> (i32)  : i32 {
        %mul3A_155 = arith.constant 2 : i32
        %mul3A_156 = arith.muli %scan3A_153, %mul3A_155 : i32
        %add3A_157 = arith.constant 0 : i32
        %add3A_158 = arith.addi %mul3A_156, %add3A_157 : i32
        %dma_wait3A_159 = arith.constant 0 : i32
        %dma_wait3A_160 = arith.constant 0 : i32
        %dma_wait3A_161 = arith.constant 0 : i32
        %dma_wait3A_162 = arith.constant 0 : i32
        %dma_wait3A_163 = tpu.memref_slice %arg8[%dma_wait3A_160, %dma_wait3A_161, %dma_wait3A_162] : memref<2x128x128xf32, #tpu.memory_space<vmem>> -> memref<1x128x128xf32, #tpu.memory_space<vmem>>
        %dma_wait3A_164 = tpu.memref_squeeze %dma_wait3A_163 : memref<1x128x128xf32, #tpu.memory_space<vmem>> -> memref<128x128xf32, #tpu.memory_space<vmem>>
        %dma_wait3A_165 = arith.constant 0 : i32
        %dma_wait3A_166 = tpu.memref_slice %arg6[%dma_wait3A_159, %dma_wait3A_165] : memref<32x128xi32, #tpu.memory_space<vmem>> -> memref<1x128xi32, #tpu.memory_space<vmem>>
        %dma_wait3A_167 = tpu.memref_squeeze %dma_wait3A_166 : memref<1x128xi32, #tpu.memory_space<vmem>> -> memref<128xi32, #tpu.memory_space<vmem>>
        %dma_wait3A_168 = arith.constant 0 : i32
        %dma_wait3A_169 = arith.constant 0 : i32
        %dma_wait3A_170 = tpu.memref_slice %arg2[%dma_wait3A_168, %dma_wait3A_169] : memref<10240x128xf32, #tpu.memory_space<hbm>> -> memref<10240x128xf32, #tpu.memory_space<hbm>>
        tpu.wait_indirect_dma semaphore(%arg10 : memref<!tpu.dma_semaphore, #tpu.memory_space<semaphore_mem>>) src(%dma_wait3A_170 : memref<10240x128xf32, #tpu.memory_space<hbm>>) dst(%dma_wait3A_164 : memref<128x128xf32, #tpu.memory_space<vmem>>)
        %add3A_171 = arith.addi %mul3A_70, %add3A_158 : i32
        %run_scoped3A_172 = arith.constant 0 : i32
        "tpu.region"() ({
          %run_scoped3A_220 = tpu.sem_alloc : memref<!tpu.dma_semaphore, #tpu.memory_space<semaphore_mem>>
          %dma_start3A_221 = arith.constant 0 : i32
          %dma_start3A_222 = arith.constant 0 : i32
          %dma_start3A_223 = tpu.memref_slice %arg8[%run_scoped3A_172, %dma_start3A_221, %dma_start3A_222] : memref<2x128x128xf32, #tpu.memory_space<vmem>> -> memref<1x128x128xf32, #tpu.memory_space<vmem>>
          %dma_start3A_224 = tpu.memref_squeeze %dma_start3A_223 : memref<1x128x128xf32, #tpu.memory_space<vmem>> -> memref<128x128xf32, #tpu.memory_space<vmem>>
          %dma_start3A_225 = arith.constant 0 : i32
          %dma_start3A_226 = tpu.memref_slice %arg7[%add3A_171, %dma_start3A_225] : memref<32x128xi32, #tpu.memory_space<vmem>> -> memref<1x128xi32, #tpu.memory_space<vmem>>
          %dma_start3A_227 = tpu.memref_squeeze %dma_start3A_226 : memref<1x128xi32, #tpu.memory_space<vmem>> -> memref<128xi32, #tpu.memory_space<vmem>>
          %dma_start3A_228 = arith.constant 0 : i32
          %dma_start3A_229 = arith.constant 0 : i32
          %dma_start3A_230 = tpu.memref_slice %arg9[%dma_start3A_228, %dma_start3A_229] : memref<10240x128xf32, #tpu.memory_space<vmem_shared>> -> memref<10240x128xf32, #tpu.memory_space<vmem_shared>>
          tpu.enqueue_indirect_dma source(%dma_start3A_224 : memref<128x128xf32, #tpu.memory_space<vmem>>) target(%dma_start3A_230 : memref<10240x128xf32, #tpu.memory_space<vmem_shared>>) offsets(%dma_start3A_227 : memref<128xi32, #tpu.memory_space<vmem>>) semaphore(%run_scoped3A_220 : memref<!tpu.dma_semaphore, #tpu.memory_space<semaphore_mem>>) {add = true}
          %dma_wait3A_231 = arith.constant 0 : i32
          %dma_wait3A_232 = arith.constant 0 : i32
          %dma_wait3A_233 = tpu.memref_slice %arg8[%run_scoped3A_172, %dma_wait3A_231, %dma_wait3A_232] : memref<2x128x128xf32, #tpu.memory_space<vmem>> -> memref<1x128x128xf32, #tpu.memory_space<vmem>>
          %dma_wait3A_234 = tpu.memref_squeeze %dma_wait3A_233 : memref<1x128x128xf32, #tpu.memory_space<vmem>> -> memref<128x128xf32, #tpu.memory_space<vmem>>
          %dma_wait3A_235 = arith.constant 0 : i32
          %dma_wait3A_236 = tpu.memref_slice %arg7[%add3A_171, %dma_wait3A_235] : memref<32x128xi32, #tpu.memory_space<vmem>> -> memref<1x128xi32, #tpu.memory_space<vmem>>
          %dma_wait3A_237 = tpu.memref_squeeze %dma_wait3A_236 : memref<1x128xi32, #tpu.memory_space<vmem>> -> memref<128xi32, #tpu.memory_space<vmem>>
          %dma_wait3A_238 = arith.constant 0 : i32
          %dma_wait3A_239 = arith.constant 0 : i32
          %dma_wait3A_240 = tpu.memref_slice %arg9[%dma_wait3A_238, %dma_wait3A_239] : memref<10240x128xf32, #tpu.memory_space<vmem_shared>> -> memref<10240x128xf32, #tpu.memory_space<vmem_shared>>
          tpu.wait_indirect_dma semaphore(%run_scoped3A_220 : memref<!tpu.dma_semaphore, #tpu.memory_space<semaphore_mem>>) src(%dma_wait3A_234 : memref<128x128xf32, #tpu.memory_space<vmem>>) dst(%dma_wait3A_240 : memref<10240x128xf32, #tpu.memory_space<vmem_shared>>)
          tpu.yield
        }) : () -> ()
        %add3A_173 = arith.addi %mul3A_70, %add3A_158 : i32
        %add3A_174 = arith.constant 2 : i32
        %add3A_175 = arith.addi %add3A_173, %add3A_174 : i32
        %dma_start3A_176 = arith.constant 0 : i32
        %dma_start3A_177 = arith.constant 0 : i32
        %dma_start3A_178 = arith.constant 0 : i32
        %dma_start3A_179 = tpu.memref_slice %arg8[%dma_start3A_176, %dma_start3A_177, %dma_start3A_178] : memref<2x128x128xf32, #tpu.memory_space<vmem>> -> memref<1x128x128xf32, #tpu.memory_space<vmem>>
        %dma_start3A_180 = tpu.memref_squeeze %dma_start3A_179 : memref<1x128x128xf32, #tpu.memory_space<vmem>> -> memref<128x128xf32, #tpu.memory_space<vmem>>
        %dma_start3A_181 = arith.constant 0 : i32
        %dma_start3A_182 = tpu.memref_slice %arg6[%add3A_175, %dma_start3A_181] : memref<32x128xi32, #tpu.memory_space<vmem>> -> memref<1x128xi32, #tpu.memory_space<vmem>>
        %dma_start3A_183 = tpu.memref_squeeze %dma_start3A_182 : memref<1x128xi32, #tpu.memory_space<vmem>> -> memref<128xi32, #tpu.memory_space<vmem>>
        %dma_start3A_184 = arith.constant 0 : i32
        %dma_start3A_185 = arith.constant 0 : i32
        %dma_start3A_186 = tpu.memref_slice %arg2[%dma_start3A_184, %dma_start3A_185] : memref<10240x128xf32, #tpu.memory_space<hbm>> -> memref<10240x128xf32, #tpu.memory_space<hbm>>
        tpu.enqueue_indirect_dma source(%dma_start3A_186 : memref<10240x128xf32, #tpu.memory_space<hbm>>) target(%dma_start3A_180 : memref<128x128xf32, #tpu.memory_space<vmem>>) offsets(%dma_start3A_183 : memref<128xi32, #tpu.memory_space<vmem>>) semaphore(%arg10 : memref<!tpu.dma_semaphore, #tpu.memory_space<semaphore_mem>>)
        %mul3A_187 = arith.constant 2 : i32
        %mul3A_188 = arith.muli %scan3A_153, %mul3A_187 : i32
        %add3A_189 = arith.constant 1 : i32
        %add3A_190 = arith.addi %mul3A_188, %add3A_189 : i32
        %dma_wait3A_191 = arith.constant 0 : i32
        %dma_wait3A_192 = arith.constant 1 : i32
        %dma_wait3A_193 = arith.constant 0 : i32
        %dma_wait3A_194 = arith.constant 0 : i32
        %dma_wait3A_195 = tpu.memref_slice %arg8[%dma_wait3A_192, %dma_wait3A_193, %dma_wait3A_194] : memref<2x128x128xf32, #tpu.memory_space<vmem>> -> memref<1x128x128xf32, #tpu.memory_space<vmem>>
        %dma_wait3A_196 = tpu.memref_squeeze %dma_wait3A_195 : memref<1x128x128xf32, #tpu.memory_space<vmem>> -> memref<128x128xf32, #tpu.memory_space<vmem>>
        %dma_wait3A_197 = arith.constant 0 : i32
        %dma_wait3A_198 = tpu.memref_slice %arg6[%dma_wait3A_191, %dma_wait3A_197] : memref<32x128xi32, #tpu.memory_space<vmem>> -> memref<1x128xi32, #tpu.memory_space<vmem>>
        %dma_wait3A_199 = tpu.memref_squeeze %dma_wait3A_198 : memref<1x128xi32, #tpu.memory_space<vmem>> -> memref<128xi32, #tpu.memory_space<vmem>>
        %dma_wait3A_200 = arith.constant 0 : i32
        %dma_wait3A_201 = arith.constant 0 : i32
        %dma_wait3A_202 = tpu.memref_slice %arg2[%dma_wait3A_200, %dma_wait3A_201] : memref<10240x128xf32, #tpu.memory_space<hbm>> -> memref<10240x128xf32, #tpu.memory_space<hbm>>
        tpu.wait_indirect_dma semaphore(%arg11 : memref<!tpu.dma_semaphore, #tpu.memory_space<semaphore_mem>>) src(%dma_wait3A_202 : memref<10240x128xf32, #tpu.memory_space<hbm>>) dst(%dma_wait3A_196 : memref<128x128xf32, #tpu.memory_space<vmem>>)
        %add3A_203 = arith.addi %mul3A_70, %add3A_190 : i32
        %run_scoped3A_204 = arith.constant 1 : i32
        "tpu.region"() ({
          %run_scoped3A_220 = tpu.sem_alloc : memref<!tpu.dma_semaphore, #tpu.memory_space<semaphore_mem>>
          %dma_start3A_221 = arith.constant 0 : i32
          %dma_start3A_222 = arith.constant 0 : i32
          %dma_start3A_223 = tpu.memref_slice %arg8[%run_scoped3A_204, %dma_start3A_221, %dma_start3A_222] : memref<2x128x128xf32, #tpu.memory_space<vmem>> -> memref<1x128x128xf32, #tpu.memory_space<vmem>>
          %dma_start3A_224 = tpu.memref_squeeze %dma_start3A_223 : memref<1x128x128xf32, #tpu.memory_space<vmem>> -> memref<128x128xf32, #tpu.memory_space<vmem>>
          %dma_start3A_225 = arith.constant 0 : i32
          %dma_start3A_226 = tpu.memref_slice %arg7[%add3A_203, %dma_start3A_225] : memref<32x128xi32, #tpu.memory_space<vmem>> -> memref<1x128xi32, #tpu.memory_space<vmem>>
          %dma_start3A_227 = tpu.memref_squeeze %dma_start3A_226 : memref<1x128xi32, #tpu.memory_space<vmem>> -> memref<128xi32, #tpu.memory_space<vmem>>
          %dma_start3A_228 = arith.constant 0 : i32
          %dma_start3A_229 = arith.constant 0 : i32
          %dma_start3A_230 = tpu.memref_slice %arg9[%dma_start3A_228, %dma_start3A_229] : memref<10240x128xf32, #tpu.memory_space<vmem_shared>> -> memref<10240x128xf32, #tpu.memory_space<vmem_shared>>
          tpu.enqueue_indirect_dma source(%dma_start3A_224 : memref<128x128xf32, #tpu.memory_space<vmem>>) target(%dma_start3A_230 : memref<10240x128xf32, #tpu.memory_space<vmem_shared>>) offsets(%dma_start3A_227 : memref<128xi32, #tpu.memory_space<vmem>>) semaphore(%run_scoped3A_220 : memref<!tpu.dma_semaphore, #tpu.memory_space<semaphore_mem>>) {add = true}
          %dma_wait3A_231 = arith.constant 0 : i32
          %dma_wait3A_232 = arith.constant 0 : i32
          %dma_wait3A_233 = tpu.memref_slice %arg8[%run_scoped3A_204, %dma_wait3A_231, %dma_wait3A_232] : memref<2x128x128xf32, #tpu.memory_space<vmem>> -> memref<1x128x128xf32, #tpu.memory_space<vmem>>
          %dma_wait3A_234 = tpu.memref_squeeze %dma_wait3A_233 : memref<1x128x128xf32, #tpu.memory_space<vmem>> -> memref<128x128xf32, #tpu.memory_space<vmem>>
          %dma_wait3A_235 = arith.constant 0 : i32
          %dma_wait3A_236 = tpu.memref_slice %arg7[%add3A_203, %dma_wait3A_235] : memref<32x128xi32, #tpu.memory_space<vmem>> -> memref<1x128xi32, #tpu.memory_space<vmem>>
          %dma_wait3A_237 = tpu.memref_squeeze %dma_wait3A_236 : memref<1x128xi32, #tpu.memory_space<vmem>> -> memref<128xi32, #tpu.memory_space<vmem>>
          %dma_wait3A_238 = arith.constant 0 : i32
          %dma_wait3A_239 = arith.constant 0 : i32
          %dma_wait3A_240 = tpu.memref_slice %arg9[%dma_wait3A_238, %dma_wait3A_239] : memref<10240x128xf32, #tpu.memory_space<vmem_shared>> -> memref<10240x128xf32, #tpu.memory_space<vmem_shared>>
          tpu.wait_indirect_dma semaphore(%run_scoped3A_220 : memref<!tpu.dma_semaphore, #tpu.memory_space<semaphore_mem>>) src(%dma_wait3A_234 : memref<128x128xf32, #tpu.memory_space<vmem>>) dst(%dma_wait3A_240 : memref<10240x128xf32, #tpu.memory_space<vmem_shared>>)
          tpu.yield
        }) : () -> ()
        %add3A_205 = arith.addi %mul3A_70, %add3A_190 : i32
        %add3A_206 = arith.constant 2 : i32
        %add3A_207 = arith.addi %add3A_205, %add3A_206 : i32
        %dma_start3A_208 = arith.constant 1 : i32
        %dma_start3A_209 = arith.constant 0 : i32
        %dma_start3A_210 = arith.constant 0 : i32
        %dma_start3A_211 = tpu.memref_slice %arg8[%dma_start3A_208, %dma_start3A_209, %dma_start3A_210] : memref<2x128x128xf32, #tpu.memory_space<vmem>> -> memref<1x128x128xf32, #tpu.memory_space<vmem>>
        %dma_start3A_212 = tpu.memref_squeeze %dma_start3A_211 : memref<1x128x128xf32, #tpu.memory_space<vmem>> -> memref<128x128xf32, #tpu.memory_space<vmem>>
        %dma_start3A_213 = arith.constant 0 : i32
        %dma_start3A_214 = tpu.memref_slice %arg6[%add3A_207, %dma_start3A_213] : memref<32x128xi32, #tpu.memory_space<vmem>> -> memref<1x128xi32, #tpu.memory_space<vmem>>
        %dma_start3A_215 = tpu.memref_squeeze %dma_start3A_214 : memref<1x128xi32, #tpu.memory_space<vmem>> -> memref<128xi32, #tpu.memory_space<vmem>>
        %dma_start3A_216 = arith.constant 0 : i32
        %dma_start3A_217 = arith.constant 0 : i32
        %dma_start3A_218 = tpu.memref_slice %arg2[%dma_start3A_216, %dma_start3A_217] : memref<10240x128xf32, #tpu.memory_space<hbm>> -> memref<10240x128xf32, #tpu.memory_space<hbm>>
        tpu.enqueue_indirect_dma source(%dma_start3A_218 : memref<10240x128xf32, #tpu.memory_space<hbm>>) target(%dma_start3A_212 : memref<128x128xf32, #tpu.memory_space<vmem>>) offsets(%dma_start3A_215 : memref<128xi32, #tpu.memory_space<vmem>>) semaphore(%arg11 : memref<!tpu.dma_semaphore, #tpu.memory_space<semaphore_mem>>)
        %scan3A_219 = arith.constant 0 : i32
        scf.yield %scan3A_219 : i32
      }
      %scan3A_102 = arith.constant 7 : i32
      %dma_wait3A = arith.constant 0 : i32
      %dma_wait3A_103 = arith.constant 0 : i32
      %dma_wait3A_104 = arith.constant 0 : i32
      %dma_wait3A_105 = arith.constant 0 : i32
      %dma_wait3A_106 = tpu.memref_slice %arg8[%dma_wait3A_103, %dma_wait3A_104, %dma_wait3A_105] : memref<2x128x128xf32, #tpu.memory_space<vmem>> -> memref<1x128x128xf32, #tpu.memory_space<vmem>>
      %dma_wait3A_107 = tpu.memref_squeeze %dma_wait3A_106 : memref<1x128x128xf32, #tpu.memory_space<vmem>> -> memref<128x128xf32, #tpu.memory_space<vmem>>
      %dma_wait3A_108 = arith.constant 0 : i32
      %dma_wait3A_109 = tpu.memref_slice %arg6[%dma_wait3A, %dma_wait3A_108] : memref<32x128xi32, #tpu.memory_space<vmem>> -> memref<1x128xi32, #tpu.memory_space<vmem>>
      %dma_wait3A_110 = tpu.memref_squeeze %dma_wait3A_109 : memref<1x128xi32, #tpu.memory_space<vmem>> -> memref<128xi32, #tpu.memory_space<vmem>>
      %dma_wait3A_111 = arith.constant 0 : i32
      %dma_wait3A_112 = arith.constant 0 : i32
      %dma_wait3A_113 = tpu.memref_slice %arg2[%dma_wait3A_111, %dma_wait3A_112] : memref<10240x128xf32, #tpu.memory_space<hbm>> -> memref<10240x128xf32, #tpu.memory_space<hbm>>
      tpu.wait_indirect_dma semaphore(%arg10 : memref<!tpu.dma_semaphore, #tpu.memory_space<semaphore_mem>>) src(%dma_wait3A_113 : memref<10240x128xf32, #tpu.memory_space<hbm>>) dst(%dma_wait3A_107 : memref<128x128xf32, #tpu.memory_space<vmem>>)
      %add3A_114 = arith.constant 14 : i32
      %add3A_115 = arith.addi %mul3A_70, %add3A_114 : i32
      %run_scoped3A = arith.constant 0 : i32
      "tpu.region"() ({
        %run_scoped3A_153 = tpu.sem_alloc : memref<!tpu.dma_semaphore, #tpu.memory_space<semaphore_mem>>
        %dma_start3A_154 = arith.constant 0 : i32
        %dma_start3A_155 = arith.constant 0 : i32
        %dma_start3A_156 = tpu.memref_slice %arg8[%run_scoped3A, %dma_start3A_154, %dma_start3A_155] : memref<2x128x128xf32, #tpu.memory_space<vmem>> -> memref<1x128x128xf32, #tpu.memory_space<vmem>>
        %dma_start3A_157 = tpu.memref_squeeze %dma_start3A_156 : memref<1x128x128xf32, #tpu.memory_space<vmem>> -> memref<128x128xf32, #tpu.memory_space<vmem>>
        %dma_start3A_158 = arith.constant 0 : i32
        %dma_start3A_159 = tpu.memref_slice %arg7[%add3A_115, %dma_start3A_158] : memref<32x128xi32, #tpu.memory_space<vmem>> -> memref<1x128xi32, #tpu.memory_space<vmem>>
        %dma_start3A_160 = tpu.memref_squeeze %dma_start3A_159 : memref<1x128xi32, #tpu.memory_space<vmem>> -> memref<128xi32, #tpu.memory_space<vmem>>
        %dma_start3A_161 = arith.constant 0 : i32
        %dma_start3A_162 = arith.constant 0 : i32
        %dma_start3A_163 = tpu.memref_slice %arg9[%dma_start3A_161, %dma_start3A_162] : memref<10240x128xf32, #tpu.memory_space<vmem_shared>> -> memref<10240x128xf32, #tpu.memory_space<vmem_shared>>
        tpu.enqueue_indirect_dma source(%dma_start3A_157 : memref<128x128xf32, #tpu.memory_space<vmem>>) target(%dma_start3A_163 : memref<10240x128xf32, #tpu.memory_space<vmem_shared>>) offsets(%dma_start3A_160 : memref<128xi32, #tpu.memory_space<vmem>>) semaphore(%run_scoped3A_153 : memref<!tpu.dma_semaphore, #tpu.memory_space<semaphore_mem>>) {add = true}
        %dma_wait3A_164 = arith.constant 0 : i32
        %dma_wait3A_165 = arith.constant 0 : i32
        %dma_wait3A_166 = tpu.memref_slice %arg8[%run_scoped3A, %dma_wait3A_164, %dma_wait3A_165] : memref<2x128x128xf32, #tpu.memory_space<vmem>> -> memref<1x128x128xf32, #tpu.memory_space<vmem>>
        %dma_wait3A_167 = tpu.memref_squeeze %dma_wait3A_166 : memref<1x128x128xf32, #tpu.memory_space<vmem>> -> memref<128x128xf32, #tpu.memory_space<vmem>>
        %dma_wait3A_168 = arith.constant 0 : i32
        %dma_wait3A_169 = tpu.memref_slice %arg7[%add3A_115, %dma_wait3A_168] : memref<32x128xi32, #tpu.memory_space<vmem>> -> memref<1x128xi32, #tpu.memory_space<vmem>>
        %dma_wait3A_170 = tpu.memref_squeeze %dma_wait3A_169 : memref<1x128xi32, #tpu.memory_space<vmem>> -> memref<128xi32, #tpu.memory_space<vmem>>
        %dma_wait3A_171 = arith.constant 0 : i32
        %dma_wait3A_172 = arith.constant 0 : i32
        %dma_wait3A_173 = tpu.memref_slice %arg9[%dma_wait3A_171, %dma_wait3A_172] : memref<10240x128xf32, #tpu.memory_space<vmem_shared>> -> memref<10240x128xf32, #tpu.memory_space<vmem_shared>>
        tpu.wait_indirect_dma semaphore(%run_scoped3A_153 : memref<!tpu.dma_semaphore, #tpu.memory_space<semaphore_mem>>) src(%dma_wait3A_167 : memref<128x128xf32, #tpu.memory_space<vmem>>) dst(%dma_wait3A_173 : memref<10240x128xf32, #tpu.memory_space<vmem_shared>>)
        tpu.yield
      }) : () -> ()
      %add3A_116 = arith.constant 1 : i32
      %add3A_117 = arith.addi %scan3A_58, %add3A_116 : i32
      %lt3A_118 = arith.constant 5 : i32
      %lt3A_119 = arith.cmpi slt, %add3A_117, %lt3A_118 : i32
      %convert_element_type3A_120 = arith.extui %lt3A_119 : i1 to i32
      %cond3A_121 = arith.constant 0 : i32
      %cond3A_122 = arith.cmpi ne, %convert_element_type3A_120, %cond3A_121 : i32
      scf.if %cond3A_122 {
        %dma_wait3A_153 = arith.constant 0 : i32
        %dma_wait3A_154 = tpu.memref_slice %arg6[%mul3A_90, %dma_wait3A_153] : memref<32x128xi32, #tpu.memory_space<vmem>> -> memref<16x128xi32, #tpu.memory_space<vmem>>
        %dma_wait3A_155 = arith.constant 0 : i32
        %dma_wait3A_156 = tpu.memref_slice %arg3[%add3A, %dma_wait3A_155] : memref<2560x128xi32, #tpu.memory_space<hbm>> -> memref<16x128xi32, #tpu.memory_space<hbm>>
        %dma_wait3A_157 = arith.constant 0 : i32
        %dma_wait3A_158 = tpu.memref_slice %arg6[%mul3A_90, %dma_wait3A_157] : memref<32x128xi32, #tpu.memory_space<vmem>> -> memref<16x128xi32, #tpu.memory_space<vmem>>
        %dma_wait3A_159 = arith.constant 0 : i32
        %dma_wait3A_160 = tpu.memref_slice %arg3[%add3A, %dma_wait3A_159] : memref<2560x128xi32, #tpu.memory_space<hbm>> -> memref<16x128xi32, #tpu.memory_space<hbm>>
        tpu.wait_dma2 semaphore(%arg12 : memref<!tpu.dma_semaphore, #tpu.memory_space<semaphore_mem>>) src(%dma_wait3A_160 : memref<16x128xi32, #tpu.memory_space<hbm>>) dst(%dma_wait3A_158 : memref<16x128xi32, #tpu.memory_space<vmem>>)
        %dma_wait3A_161 = arith.constant 0 : i32
        %dma_wait3A_162 = tpu.memref_slice %arg7[%mul3A_90, %dma_wait3A_161] : memref<32x128xi32, #tpu.memory_space<vmem>> -> memref<16x128xi32, #tpu.memory_space<vmem>>
        %dma_wait3A_163 = arith.constant 0 : i32
        %dma_wait3A_164 = tpu.memref_slice %arg4[%add3A, %dma_wait3A_163] : memref<2560x128xi32, #tpu.memory_space<hbm>> -> memref<16x128xi32, #tpu.memory_space<hbm>>
        %dma_wait3A_165 = arith.constant 0 : i32
        %dma_wait3A_166 = tpu.memref_slice %arg7[%mul3A_90, %dma_wait3A_165] : memref<32x128xi32, #tpu.memory_space<vmem>> -> memref<16x128xi32, #tpu.memory_space<vmem>>
        %dma_wait3A_167 = arith.constant 0 : i32
        %dma_wait3A_168 = tpu.memref_slice %arg4[%add3A, %dma_wait3A_167] : memref<2560x128xi32, #tpu.memory_space<hbm>> -> memref<16x128xi32, #tpu.memory_space<hbm>>
        tpu.wait_dma2 semaphore(%arg12 : memref<!tpu.dma_semaphore, #tpu.memory_space<semaphore_mem>>) src(%dma_wait3A_168 : memref<16x128xi32, #tpu.memory_space<hbm>>) dst(%dma_wait3A_166 : memref<16x128xi32, #tpu.memory_space<vmem>>)
      } else {
      }
      %add3A_123 = arith.constant 1 : i32
      %add3A_124 = arith.addi %scan3A_58, %add3A_123 : i32
      %lt3A_125 = arith.constant 5 : i32
      %lt3A_126 = arith.cmpi slt, %add3A_124, %lt3A_125 : i32
      %convert_element_type3A_127 = arith.extui %lt3A_126 : i1 to i32
      %cond3A_128 = arith.constant 0 : i32
      %cond3A_129 = arith.cmpi ne, %convert_element_type3A_127, %cond3A_128 : i32
      scf.if %cond3A_129 {
        %add3A_153 = arith.constant 14 : i32
        %add3A_154 = arith.addi %mul3A_90, %add3A_153 : i32
        %add3A_155 = arith.constant 2 : i32
        %add3A_156 = arith.addi %add3A_154, %add3A_155 : i32
        %sub3A = arith.constant 16 : i32
        %sub3A_157 = arith.subi %add3A_156, %sub3A : i32
        %dma_start3A_158 = arith.constant 0 : i32
        %dma_start3A_159 = arith.constant 0 : i32
        %dma_start3A_160 = arith.constant 0 : i32
        %dma_start3A_161 = tpu.memref_slice %arg8[%dma_start3A_158, %dma_start3A_159, %dma_start3A_160] : memref<2x128x128xf32, #tpu.memory_space<vmem>> -> memref<1x128x128xf32, #tpu.memory_space<vmem>>
        %dma_start3A_162 = tpu.memref_squeeze %dma_start3A_161 : memref<1x128x128xf32, #tpu.memory_space<vmem>> -> memref<128x128xf32, #tpu.memory_space<vmem>>
        %dma_start3A_163 = arith.constant 0 : i32
        %dma_start3A_164 = tpu.memref_slice %arg6[%sub3A_157, %dma_start3A_163] : memref<32x128xi32, #tpu.memory_space<vmem>> -> memref<1x128xi32, #tpu.memory_space<vmem>>
        %dma_start3A_165 = tpu.memref_squeeze %dma_start3A_164 : memref<1x128xi32, #tpu.memory_space<vmem>> -> memref<128xi32, #tpu.memory_space<vmem>>
        %dma_start3A_166 = arith.constant 0 : i32
        %dma_start3A_167 = arith.constant 0 : i32
        %dma_start3A_168 = tpu.memref_slice %arg2[%dma_start3A_166, %dma_start3A_167] : memref<10240x128xf32, #tpu.memory_space<hbm>> -> memref<10240x128xf32, #tpu.memory_space<hbm>>
        tpu.enqueue_indirect_dma source(%dma_start3A_168 : memref<10240x128xf32, #tpu.memory_space<hbm>>) target(%dma_start3A_162 : memref<128x128xf32, #tpu.memory_space<vmem>>) offsets(%dma_start3A_165 : memref<128xi32, #tpu.memory_space<vmem>>) semaphore(%arg10 : memref<!tpu.dma_semaphore, #tpu.memory_space<semaphore_mem>>)
      } else {
      }
      %dma_wait3A_130 = arith.constant 0 : i32
      %dma_wait3A_131 = arith.constant 1 : i32
      %dma_wait3A_132 = arith.constant 0 : i32
      %dma_wait3A_133 = arith.constant 0 : i32
      %dma_wait3A_134 = tpu.memref_slice %arg8[%dma_wait3A_131, %dma_wait3A_132, %dma_wait3A_133] : memref<2x128x128xf32, #tpu.memory_space<vmem>> -> memref<1x128x128xf32, #tpu.memory_space<vmem>>
      %dma_wait3A_135 = tpu.memref_squeeze %dma_wait3A_134 : memref<1x128x128xf32, #tpu.memory_space<vmem>> -> memref<128x128xf32, #tpu.memory_space<vmem>>
      %dma_wait3A_136 = arith.constant 0 : i32
      %dma_wait3A_137 = tpu.memref_slice %arg6[%dma_wait3A_130, %dma_wait3A_136] : memref<32x128xi32, #tpu.memory_space<vmem>> -> memref<1x128xi32, #tpu.memory_space<vmem>>
      %dma_wait3A_138 = tpu.memref_squeeze %dma_wait3A_137 : memref<1x128xi32, #tpu.memory_space<vmem>> -> memref<128xi32, #tpu.memory_space<vmem>>
      %dma_wait3A_139 = arith.constant 0 : i32
      %dma_wait3A_140 = arith.constant 0 : i32
      %dma_wait3A_141 = tpu.memref_slice %arg2[%dma_wait3A_139, %dma_wait3A_140] : memref<10240x128xf32, #tpu.memory_space<hbm>> -> memref<10240x128xf32, #tpu.memory_space<hbm>>
      tpu.wait_indirect_dma semaphore(%arg11 : memref<!tpu.dma_semaphore, #tpu.memory_space<semaphore_mem>>) src(%dma_wait3A_141 : memref<10240x128xf32, #tpu.memory_space<hbm>>) dst(%dma_wait3A_135 : memref<128x128xf32, #tpu.memory_space<vmem>>)
      %add3A_142 = arith.constant 15 : i32
      %add3A_143 = arith.addi %mul3A_70, %add3A_142 : i32
      %run_scoped3A_144 = arith.constant 1 : i32
      "tpu.region"() ({
        %run_scoped3A_153 = tpu.sem_alloc : memref<!tpu.dma_semaphore, #tpu.memory_space<semaphore_mem>>
        %dma_start3A_154 = arith.constant 0 : i32
        %dma_start3A_155 = arith.constant 0 : i32
        %dma_start3A_156 = tpu.memref_slice %arg8[%run_scoped3A_144, %dma_start3A_154, %dma_start3A_155] : memref<2x128x128xf32, #tpu.memory_space<vmem>> -> memref<1x128x128xf32, #tpu.memory_space<vmem>>
        %dma_start3A_157 = tpu.memref_squeeze %dma_start3A_156 : memref<1x128x128xf32, #tpu.memory_space<vmem>> -> memref<128x128xf32, #tpu.memory_space<vmem>>
        %dma_start3A_158 = arith.constant 0 : i32
        %dma_start3A_159 = tpu.memref_slice %arg7[%add3A_143, %dma_start3A_158] : memref<32x128xi32, #tpu.memory_space<vmem>> -> memref<1x128xi32, #tpu.memory_space<vmem>>
        %dma_start3A_160 = tpu.memref_squeeze %dma_start3A_159 : memref<1x128xi32, #tpu.memory_space<vmem>> -> memref<128xi32, #tpu.memory_space<vmem>>
        %dma_start3A_161 = arith.constant 0 : i32
        %dma_start3A_162 = arith.constant 0 : i32
        %dma_start3A_163 = tpu.memref_slice %arg9[%dma_start3A_161, %dma_start3A_162] : memref<10240x128xf32, #tpu.memory_space<vmem_shared>> -> memref<10240x128xf32, #tpu.memory_space<vmem_shared>>
        tpu.enqueue_indirect_dma source(%dma_start3A_157 : memref<128x128xf32, #tpu.memory_space<vmem>>) target(%dma_start3A_163 : memref<10240x128xf32, #tpu.memory_space<vmem_shared>>) offsets(%dma_start3A_160 : memref<128xi32, #tpu.memory_space<vmem>>) semaphore(%run_scoped3A_153 : memref<!tpu.dma_semaphore, #tpu.memory_space<semaphore_mem>>) {add = true}
        %dma_wait3A_164 = arith.constant 0 : i32
        %dma_wait3A_165 = arith.constant 0 : i32
        %dma_wait3A_166 = tpu.memref_slice %arg8[%run_scoped3A_144, %dma_wait3A_164, %dma_wait3A_165] : memref<2x128x128xf32, #tpu.memory_space<vmem>> -> memref<1x128x128xf32, #tpu.memory_space<vmem>>
        %dma_wait3A_167 = tpu.memref_squeeze %dma_wait3A_166 : memref<1x128x128xf32, #tpu.memory_space<vmem>> -> memref<128x128xf32, #tpu.memory_space<vmem>>
        %dma_wait3A_168 = arith.constant 0 : i32
        %dma_wait3A_169 = tpu.memref_slice %arg7[%add3A_143, %dma_wait3A_168] : memref<32x128xi32, #tpu.memory_space<vmem>> -> memref<1x128xi32, #tpu.memory_space<vmem>>
        %dma_wait3A_170 = tpu.memref_squeeze %dma_wait3A_169 : memref<1x128xi32, #tpu.memory_space<vmem>> -> memref<128xi32, #tpu.memory_space<vmem>>
        %dma_wait3A_171 = arith.constant 0 : i32
        %dma_wait3A_172 = arith.constant 0 : i32
        %dma_wait3A_173 = tpu.memref_slice %arg9[%dma_wait3A_171, %dma_wait3A_172] : memref<10240x128xf32, #tpu.memory_space<vmem_shared>> -> memref<10240x128xf32, #tpu.memory_space<vmem_shared>>
        tpu.wait_indirect_dma semaphore(%run_scoped3A_153 : memref<!tpu.dma_semaphore, #tpu.memory_space<semaphore_mem>>) src(%dma_wait3A_167 : memref<128x128xf32, #tpu.memory_space<vmem>>) dst(%dma_wait3A_173 : memref<10240x128xf32, #tpu.memory_space<vmem_shared>>)
        tpu.yield
      }) : () -> ()
      %add3A_145 = arith.constant 1 : i32
      %add3A_146 = arith.addi %scan3A_58, %add3A_145 : i32
      %lt3A_147 = arith.constant 5 : i32
      %lt3A_148 = arith.cmpi slt, %add3A_146, %lt3A_147 : i32
      %convert_element_type3A_149 = arith.extui %lt3A_148 : i1 to i32
      %cond3A_150 = arith.constant 0 : i32
      %cond3A_151 = arith.cmpi ne, %convert_element_type3A_149, %cond3A_150 : i32
      scf.if %cond3A_151 {
        %add3A_153 = arith.constant 15 : i32
        %add3A_154 = arith.addi %mul3A_90, %add3A_153 : i32
        %add3A_155 = arith.constant 2 : i32
        %add3A_156 = arith.addi %add3A_154, %add3A_155 : i32
        %sub3A = arith.constant 16 : i32
        %sub3A_157 = arith.subi %add3A_156, %sub3A : i32
        %dma_start3A_158 = arith.constant 1 : i32
        %dma_start3A_159 = arith.constant 0 : i32
        %dma_start3A_160 = arith.constant 0 : i32
        %dma_start3A_161 = tpu.memref_slice %arg8[%dma_start3A_158, %dma_start3A_159, %dma_start3A_160] : memref<2x128x128xf32, #tpu.memory_space<vmem>> -> memref<1x128x128xf32, #tpu.memory_space<vmem>>
        %dma_start3A_162 = tpu.memref_squeeze %dma_start3A_161 : memref<1x128x128xf32, #tpu.memory_space<vmem>> -> memref<128x128xf32, #tpu.memory_space<vmem>>
        %dma_start3A_163 = arith.constant 0 : i32
        %dma_start3A_164 = tpu.memref_slice %arg6[%sub3A_157, %dma_start3A_163] : memref<32x128xi32, #tpu.memory_space<vmem>> -> memref<1x128xi32, #tpu.memory_space<vmem>>
        %dma_start3A_165 = tpu.memref_squeeze %dma_start3A_164 : memref<1x128xi32, #tpu.memory_space<vmem>> -> memref<128xi32, #tpu.memory_space<vmem>>
        %dma_start3A_166 = arith.constant 0 : i32
        %dma_start3A_167 = arith.constant 0 : i32
        %dma_start3A_168 = tpu.memref_slice %arg2[%dma_start3A_166, %dma_start3A_167] : memref<10240x128xf32, #tpu.memory_space<hbm>> -> memref<10240x128xf32, #tpu.memory_space<hbm>>
        tpu.enqueue_indirect_dma source(%dma_start3A_168 : memref<10240x128xf32, #tpu.memory_space<hbm>>) target(%dma_start3A_162 : memref<128x128xf32, #tpu.memory_space<vmem>>) offsets(%dma_start3A_165 : memref<128xi32, #tpu.memory_space<vmem>>) semaphore(%arg11 : memref<!tpu.dma_semaphore, #tpu.memory_space<semaphore_mem>>)
      } else {
      }
      %scan3A_152 = arith.constant 0 : i32
      scf.yield %scan3A_152 : i32
    }
    %scan3A_52 = arith.constant 5 : i32
    %barrier3A_53 = arith.constant 0 : index
    tpu.barrier barrier_id(%barrier3A_53)
    %mul3A_54 = arith.constant 640 : i32
    %mul3A_55 = arith.muli %arg1, %mul3A_54 : i32
    %mul3A_56 = arith.constant 640 : i32
    %mul3A_57 = arith.muli %arg1, %mul3A_56 : i32
    "tpu.region"() ({
      %run_scoped3A = tpu.sem_alloc : memref<!tpu.dma_semaphore, #tpu.memory_space<semaphore_mem>>
      %dma_start3A_58 = arith.constant 0 : i32
      %dma_start3A_59 = tpu.memref_slice %arg5[%arg0, %mul3A_57, %dma_start3A_58] : memref<2x10240x128xf32, #tpu.memory_space<hbm>> -> memref<1x640x128xf32, #tpu.memory_space<hbm>>
      %dma_start3A_60 = tpu.memref_squeeze %dma_start3A_59 : memref<1x640x128xf32, #tpu.memory_space<hbm>> -> memref<640x128xf32, #tpu.memory_space<hbm>>
      %dma_start3A_61 = arith.constant 0 : i32
      %dma_start3A_62 = tpu.memref_slice %arg9[%mul3A_55, %dma_start3A_61] : memref<10240x128xf32, #tpu.memory_space<vmem_shared>> -> memref<640x128xf32, #tpu.memory_space<vmem_shared>>
      tpu.enqueue_dma source(%dma_start3A_62 : memref<640x128xf32, #tpu.memory_space<vmem_shared>>) target(%dma_start3A_60 : memref<640x128xf32, #tpu.memory_space<hbm>>) target_semaphore(%run_scoped3A : memref<!tpu.dma_semaphore, #tpu.memory_space<semaphore_mem>>)
      %dma_wait3A = arith.constant 0 : i32
      %dma_wait3A_63 = tpu.memref_slice %arg5[%arg0, %mul3A_57, %dma_wait3A] : memref<2x10240x128xf32, #tpu.memory_space<hbm>> -> memref<1x640x128xf32, #tpu.memory_space<hbm>>
      %dma_wait3A_64 = tpu.memref_squeeze %dma_wait3A_63 : memref<1x640x128xf32, #tpu.memory_space<hbm>> -> memref<640x128xf32, #tpu.memory_space<hbm>>
      %dma_wait3A_65 = arith.constant 0 : i32
      %dma_wait3A_66 = tpu.memref_slice %arg9[%mul3A_55, %dma_wait3A_65] : memref<10240x128xf32, #tpu.memory_space<vmem_shared>> -> memref<640x128xf32, #tpu.memory_space<vmem_shared>>
      tpu.wait_dma2 semaphore(%run_scoped3A : memref<!tpu.dma_semaphore, #tpu.memory_space<semaphore_mem>>) src(%dma_wait3A_66 : memref<640x128xf32, #tpu.memory_space<vmem_shared>>) dst(%dma_wait3A_64 : memref<640x128xf32, #tpu.memory_space<hbm>>)
      tpu.yield
    }) : () -> ()
    return
  }
}

module attributes {stable_mosaic.version = 14 : i64} {
  func.func @_mm_body(%arg0: i32, %arg1: memref<2048x128xf32, #tpu.memory_space<vmem>>, %arg2: memref<128x128xf32, #tpu.memory_space<vmem>>, %arg3: memref<2048x1xf32, #tpu.memory_space<vmem>>, %arg4: memref<2048x1xf32, #tpu.memory_space<vmem>>, %arg5: memref<2048x128xf32, #tpu.memory_space<vmem>>) attributes {dimension_semantics = [#tpu.dimension_semantics<arbitrary>], iteration_bounds = array<i64: 5>, scalar_prefetch = 0 : i64, scratch_operands = 0 : i64, tpu.core_type = #tpu.core_type<tc>, window_params = [{transform_indices = @transform_0, window_bounds = array<i64: 2048, 128>}, {pipeline_mode = #tpu.pipeline_mode<synchronous>, transform_indices = @transform_1, window_bounds = array<i64: 128, 128>}, {transform_indices = @transform_2, window_bounds = array<i64: 2048, 1>}, {transform_indices = @transform_3, window_bounds = array<i64: 2048, 1>}, {transform_indices = @transform_4, window_bounds = array<i64: 2048, 128>}]} {
    %get3A = arith.constant 0 : index
    %get3A_0 = arith.constant 0 : index
    %get3A_1 = vector.load %arg3[%get3A, %get3A_0] : memref<2048x1xf32, #tpu.memory_space<vmem>>, vector<2048x1xf32>
    %get3A_2 = arith.constant 0 : index
    %get3A_3 = arith.constant 0 : index
    %get3A_4 = vector.load %arg4[%get3A_2, %get3A_3] : memref<2048x1xf32, #tpu.memory_space<vmem>>, vector<2048x1xf32>
    %add3A = arith.addf %get3A_1, %get3A_4 : vector<2048x1xf32>
    %gt3A = arith.constant 0.000000e+00 : f32
    %gt3A_5 = vector.broadcast %gt3A : f32 to vector<2048x1xf32>
    %gt3A_6 = arith.cmpf ogt, %add3A, %gt3A_5 : vector<2048x1xf32>
    %div3A = arith.constant 1.000000e+00 : f32
    %div3A_7 = vector.broadcast %div3A : f32 to vector<2048x1xf32>
    %div3A_8 = arith.divf %div3A_7, %add3A : vector<2048x1xf32>
    %jit3A = arith.constant 0.000000e+00 : f32
    %broadcast_in_dim3A = vector.broadcast %jit3A : f32 to vector<2048x1xf32>
    %select_n3A = arith.select %gt3A_6, %div3A_8, %broadcast_in_dim3A : vector<2048x1xi1>, vector<2048x1xf32>
    %get3A_9 = arith.constant 0 : index
    %get3A_10 = arith.constant 0 : index
    %get3A_11 = vector.load %arg1[%get3A_9, %get3A_10] : memref<2048x128xf32, #tpu.memory_space<vmem>>, vector<2048x128xf32>
    %get3A_12 = arith.constant 0 : index
    %get3A_13 = arith.constant 0 : index
    %get3A_14 = vector.load %arg2[%get3A_12, %get3A_13] : memref<128x128xf32, #tpu.memory_space<vmem>>, vector<128x128xf32>
    %dot_general3A = arith.constant dense<0.000000e+00> : vector<2048x128xf32>
    %dot_general3A_15 = tpu.matmul %get3A_11, %get3A_14, %dot_general3A {dimension_numbers = #tpu.dot_dimension_numbers<[1], [0], [0], [1], [0, 0, 1, 1], [], []>, transpose_lhs_hint = false} : vector<2048x128xf32>, vector<128x128xf32>, vector<2048x128xf32> -> vector<2048x128xf32>
    %mul3A = vector.broadcast %select_n3A : vector<2048x1xf32> to vector<2048x128xf32>
    %mul3A_16 = arith.mulf %dot_general3A_15, %mul3A : vector<2048x128xf32>
    %swap3A = arith.constant 0 : index
    %swap3A_17 = arith.constant 0 : index
    %swap3A_18 = vector.load %arg5[%swap3A, %swap3A_17] : memref<2048x128xf32, #tpu.memory_space<vmem>>, vector<2048x128xf32>
    tpu.vector_store %arg5[%swap3A, %swap3A_17], %mul3A_16 {strides = array<i32>} : memref<2048x128xf32, #tpu.memory_space<vmem>>, vector<2048x128xf32>,
    return
  }
  func.func @transform_0(%arg0: i32) -> (i32, i32) {
    %c0_i32 = arith.constant 0 : i32
    %c0_i32_0 = arith.constant 0 : i32
    return %arg0, %c0_i32 : i32, i32
  }
  func.func @transform_1(%arg0: i32) -> (i32, i32) {
    %c0_i32 = arith.constant 0 : i32
    %c0_i32_0 = arith.constant 0 : i32
    %c0_i32_1 = arith.constant 0 : i32
    return %c0_i32, %c0_i32_0 : i32, i32
  }
  func.func @transform_2(%arg0: i32) -> (i32, i32) {
    %c0_i32 = arith.constant 0 : i32
    %c0_i32_0 = arith.constant 0 : i32
    return %arg0, %c0_i32 : i32, i32
  }
  func.func @transform_3(%arg0: i32) -> (i32, i32) {
    %c0_i32 = arith.constant 0 : i32
    %c0_i32_0 = arith.constant 0 : i32
    return %arg0, %c0_i32 : i32, i32
  }
  func.func @transform_4(%arg0: i32) -> (i32, i32) {
    %c0_i32 = arith.constant 0 : i32
    %c0_i32_0 = arith.constant 0 : i32
    return %arg0, %c0_i32 : i32, i32
  }
}

module attributes {stable_mosaic.version = 14 : i64} {
  func.func @_comb_body(%arg0: i32, %arg1: memref<2x2000x128xf32, #tpu.memory_space<vmem>>, %arg2: memref<1x128xf32, #tpu.memory_space<vmem>>, %arg3: memref<2000x128xf32, #tpu.memory_space<vmem>>) attributes {dimension_semantics = [#tpu.dimension_semantics<arbitrary>], iteration_bounds = array<i64: 5>, scalar_prefetch = 0 : i64, scratch_operands = 0 : i64, tpu.core_type = #tpu.core_type<tc>, window_params = [{transform_indices = @transform_0, window_bounds = array<i64: 2, 2000, 128>}, {pipeline_mode = #tpu.pipeline_mode<synchronous>, transform_indices = @transform_1, window_bounds = array<i64: 1, 128>}, {transform_indices = @transform_2, window_bounds = array<i64: 2000, 128>}]} {
    %get3A = arith.constant 0 : index
    %get3A_0 = arith.constant 0 : index
    %get3A_1 = arith.constant 0 : index
    %get3A_2 = vector.load %arg1[%get3A, %get3A_0, %get3A_1] : memref<2x2000x128xf32, #tpu.memory_space<vmem>>, vector<1x2000x128xf32>
    %get3A_3 = vector.shape_cast %get3A_2 : vector<1x2000x128xf32> to vector<2000x128xf32>
    %get3A_4 = arith.constant 1 : index
    %get3A_5 = arith.constant 0 : index
    %get3A_6 = arith.constant 0 : index
    %get3A_7 = vector.load %arg1[%get3A_4, %get3A_5, %get3A_6] : memref<2x2000x128xf32, #tpu.memory_space<vmem>>, vector<1x2000x128xf32>
    %get3A_8 = vector.shape_cast %get3A_7 : vector<1x2000x128xf32> to vector<2000x128xf32>
    %add3A = arith.addf %get3A_3, %get3A_8 : vector<2000x128xf32>
    %get3A_9 = arith.constant 0 : index
    %get3A_10 = arith.constant 0 : index
    %get3A_11 = vector.load %arg2[%get3A_9, %get3A_10] : memref<1x128xf32, #tpu.memory_space<vmem>>, vector<1x128xf32>
    %add3A_12 = vector.broadcast %get3A_11 : vector<1x128xf32> to vector<2000x128xf32>
    %add3A_13 = arith.addf %add3A, %add3A_12 : vector<2000x128xf32>
    %swap3A = arith.constant 0 : index
    %swap3A_14 = arith.constant 0 : index
    %swap3A_15 = vector.load %arg3[%swap3A, %swap3A_14] : memref<2000x128xf32, #tpu.memory_space<vmem>>, vector<2000x128xf32>
    tpu.vector_store %arg3[%swap3A, %swap3A_14], %add3A_13 {strides = array<i32>} : memref<2000x128xf32, #tpu.memory_space<vmem>>, vector<2000x128xf32>,
    return
  }
  func.func @transform_0(%arg0: i32) -> (i32, i32, i32) {
    %c0_i32 = arith.constant 0 : i32
    %c0_i32_0 = arith.constant 0 : i32
    %c0_i32_1 = arith.constant 0 : i32
    return %c0_i32, %arg0, %c0_i32_0 : i32, i32, i32
  }
  func.func @transform_1(%arg0: i32) -> (i32, i32) {
    %c0_i32 = arith.constant 0 : i32
    %c0_i32_0 = arith.constant 0 : i32
    %c0_i32_1 = arith.constant 0 : i32
    return %c0_i32, %c0_i32_0 : i32, i32
  }
  func.func @transform_2(%arg0: i32) -> (i32, i32) {
    %c0_i32 = arith.constant 0 : i32
    %c0_i32_0 = arith.constant 0 : i32
    return %arg0, %c0_i32 : i32, i32
  }
}

</mosaic_0001>

<sc_bundles>
// kernel: kernel.6.cloned.1.call-start
scs
__scs_entry_jumppad:
0x0: {  	(pc) =	sbr.rel $0x88, $3  }
0x1: {  	(tag) =	ssettag $0x0;
	lr =	simm.s32 $0x1  }
0x2: {  	[smem:$0x3F9D] =	sst lr;
	_ =	strace $0xD0000000  }
0x3: {  	_ = 	snop  }
0x4: {  	_ = 	snop  }
0x5: {  	_ = 	snop  }
0x6: {  	_ = 	snop  }
0x7: {  	_ = 	snop  }
__scs_overlays_trampoline_lowered:
0x8: {  	[smem:$0x3FAC] =	sst s0  }
0x9: {  	[smem:$0x3FAD] =	sst s1  }
0xa: {  	[smem:$0x3FAE] =	sst s2  }
0xb: {  	[smem:$0x3FAF] =	sst s3  }
0xc: {  	[smem:$0x3FB0] =	sst s4  }
0xd: {  	[smem:$0x3FB1] =	sst s5  }
0xe: {  	[smem:$0x3FB2] =	sst s6  }
0xf: {  	[smem:$0x3FB3] =	sst s7  }
0x10: {  	[smem:$0x3FB4] =	sst s8  }
0x11: {  	[smem:$0x3FB5] =	sst s9;
	s0 =	simm.s32 @!p0 $0x0  }
0x12: {  	s1 =	sld [smem:$0x3F9B];
	s0 =	simm.s32 @p0 $0x1  }
0x13: {  	[smem:$0x3FB6] =	sst s0;
	s0 =	simm.s32 @!p1 $0x0  }
0x14: {  	s2 =	sld [smem:$0x3F9A];
	s0 =	simm.s32 @p1 $0x1  }
0x15: {  	[smem:$0x3FB7] =	sst s0;
	s0 =	simm.s32 @!p2 $0x0  }
0x16: {  	s3 =	sld [smem:$0x3FDB];
	s0 =	simm.s32 @p2 $0x1  }
0x17: {  	s4 =	simm.s32 $0x1BF5;
	[smem:$0x3FB9] =	sst s0  }
0x18: {  	s0 =	sld [smem:$0x3F9C];
	_ =	swait.ge [sflag:s4], $0x0  }
0x19: {  	s7 =	sld [smem:$0x3F9D]  }
0x1a: {  	s8 =	sadd.s32 $0xFFFFE003, lr  }
0x1b: {  	s9 =	sadd.s32 $0xFFFFFEF7, lr;
	s5 =	simm.s32 $0xFFFFFFFF;
	p2 =	slt.u32 s8, $0xFFFFF086  }
0x1c: {  	p1 =	slt.u32 s9, $0xF7A;
	s5 =	simm.s32 @!p2 $0x0  }
0x1d: {  	s5 =	simm.s32 @p1 $0x1;
	p0 =	seq.s32 s7, s2  }
0x1e: {  	s7 =	smul.u32 @!p0 $0xF7A, s2;
	p2 =	seq.s32 @!p0 s5, $0x0  }
0x1f: {  	s9 =	smul.u32 $0xF7A, s1;
	s8 =	simm.s32 @!p0 $0x1BF5;
	p2 =	por !p2, p0  }
0x20: {  	[sflag:s8] =	ssyncset.s32 @!p0 $0xFFFFF086;
	s6 =	sadd.s32 @!p0 s3, s7;
	s7 =	simm.s32 @!p0 $0x108  }
0x21: {  	s3 =	sadd.s32 s3, s9;
	s6 =	sadd.s32 @!p0 $0x88, s6;
	s7 =	simm.s32 @p2 $0x1082  }
0x22: {  	[simem:s7], [sflag:s8] =	dma.local @!p0 [hbm:s6], $0xF7A  }
0x23: {  	s9 =	sor.u32 $0xD0000000, s2;
	s6 =	simm.s32 $0x108;
	_ =	swait.ge @!p0 [sflag:s8], $0x0  }
0x24: {  	s3 =	sadd.s32 $0x88, s3;
	s6 =	simm.s32 @!p1 $0x1082;
	[sflag:s4] =	ssyncset.s32 $0xFFFFF086  }
0x25: {  	[simem:s6], [sflag:s4] =	dma.local [hbm:s3], $0xF7A  }
0x26: {  	[smem:$0x3F9D] =	sst s1;
	(tag) =	ssettag s2;
	_ =	strace s9  }
0x27: {  	s1 =	sld [smem:$0x3FAD]  }
0x28: {  	s2 =	sld [smem:$0x3FAE]  }
0x29: {  	s4 =	sld [smem:$0x3FB0]  }
0x2a: {  	p0 =	seq.s32 s5, $0x0;
	s5 =	sld [smem:$0x3FB1]  }
0x2b: {  	s6 =	sld [smem:$0x3FB2]  }
0x2c: {  	s7 =	sld [smem:$0x3FB3]  }
0x2d: {  	s3 =	simm.s32 $0x108;
	s8 =	sld [smem:$0x3FB4]  }
0x2e: {  	s3 =	simm.s32 @!p0 $0x1082;
	s9 =	sld [smem:$0x3FB5]  }
0x2f: {  	lr =	sadd.s32 s0, s3;
	s0 =	sld [smem:$0x3FAC]  }
0x30: {  	s3 =	sld [smem:$0x3FAF]  }
0x31: {  	[smem:$0x3FB8] =	sst s10  }
0x32: {  	s10 =	sld [smem:$0x3FB6];
	_ =	sdelay $0x3  }
0x33: {  	p0 =	seq.s32 s10, $0x1;
	s10 =	sld [smem:$0x3FB8];
	_ =	sdelay $0x3  }
0x34: {  	[smem:$0x3FB8] =	sst s10  }
0x35: {  	s10 =	sld [smem:$0x3FB7];
	_ =	sdelay $0x3  }
0x36: {  	p1 =	seq.s32 s10, $0x1;
	s10 =	sld [smem:$0x3FB8];
	_ =	sdelay $0x3  }
0x37: {  	[smem:$0x3FB8] =	sst s10  }
0x38: {  	s10 =	sld [smem:$0x3FB9]  }
0x39: {  	_ = 	snop;
	(pc) =	sbr.ind lr, $3  }
0x3a: {  	_ = 	snop  }
0x3b: {  	_ = 	snop  }
0x3c: {  	p2 =	seq.s32 s10, $0x1;
	s10 =	sld [smem:$0x3FB8]  }
0x3d: {  	_ =	shalt  }
0x3e: {  	_ =	shalt  }
0x3f: {  	_ =	shalt  }
0x40: {  	_ =	shalt  }
0x41: {  	_ =	shalt  }
0x42: {  	_ =	shalt  }
0x43: {  	_ =	shalt  }
0x44: {  	_ =	shalt  }
0x45: {  	_ =	shalt  }
0x46: {  	_ =	shalt  }
0x47: {  	_ =	shalt  }
0x48: {  	_ =	shalt  }
0x49: {  	_ =	shalt  }
0x4a: {  	_ =	shalt  }
0x4b: {  	_ =	shalt  }
0x4c: {  	_ =	shalt  }
0x4d: {  	_ =	shalt  }
0x4e: {  	_ =	shalt  }
0x4f: {  	_ =	shalt  }
0x50: {  	_ =	shalt  }
0x51: {  	_ =	shalt  }
0x52: {  	_ =	shalt  }
0x53: {  	_ =	shalt  }
0x54: {  	_ =	shalt  }
0x55: {  	_ =	shalt  }
0x56: {  	_ =	shalt  }
0x57: {  	_ =	shalt  }
0x58: {  	_ =	shalt  }
0x59: {  	_ =	shalt  }
0x5a: {  	_ =	shalt  }
0x5b: {  	_ =	shalt  }
0x5c: {  	_ =	shalt  }
0x5d: {  	_ =	shalt  }
0x5e: {  	_ =	shalt  }
0x5f: {  	_ =	shalt  }
0x60: {  	_ =	shalt  }
0x61: {  	_ =	shalt  }
0x62: {  	_ =	shalt  }
0x63: {  	_ =	shalt  }
0x64: {  	_ =	shalt  }
0x65: {  	_ =	shalt  }
0x66: {  	_ =	shalt  }
0x67: {  	_ =	shalt  }
0x68: {  	_ =	shalt  }
0x69: {  	_ =	shalt  }
0x6a: {  	_ =	shalt  }
0x6b: {  	_ =	shalt  }
0x6c: {  	_ =	shalt  }
0x6d: {  	_ =	shalt  }
0x6e: {  	_ =	shalt  }
0x6f: {  	_ =	shalt  }
0x70: {  	_ =	shalt  }
0x71: {  	_ =	shalt  }
0x72: {  	_ =	shalt  }
0x73: {  	_ =	shalt  }
0x74: {  	_ =	shalt  }
0x75: {  	_ =	shalt  }
0x76: {  	_ =	shalt  }
0x77: {  	_ =	shalt  }
0x78: {  	_ =	shalt  }
0x79: {  	_ =	shalt  }
0x7a: {  	_ =	shalt  }
0x7b: {  	_ =	shalt  }
0x7c: {  	_ =	shalt  }
0x7d: {  	_ =	shalt  }
0x7e: {  	_ =	shalt  }
0x7f: {  	_ =	shalt  }
0x80: {  	_ =	shalt  }
0x81: {  	_ =	shalt  }
0x82: {  	_ =	shalt  }
0x83: {  	_ =	shalt  }
0x84: {  	_ =	shalt  }
0x85: {  	_ =	shalt  }
0x86: {  	_ =	shalt  }
0x87: {  	_ =	shalt  }
.Lfunc_end0:
.L_simem_size_0:
called_computation_lowered:
.L_overlay_start_0:
0x88: {  	s2 =	sld [smem:$0x3FD9]  }
0x89: {  	s3 =	sld [smem:$0x3FFE];
	_ =	sdelay $0x1  }
0x8a: {  	s1 =	srdreg.scid  }
0x8b: {  	s0 =	sand.u32 $0x1, s1  }
0x8c: {  	s16 =	sshll.u32 s0, $0xA;
	s2 =	sadd.s32 s3, s2  }
0x8d: {  	s2 =	sadd.s32 s2, s16  }
0x8e: {  	[smem:$0x3FC4] =	sst s2  }
0x8f: {  	_ = 	snop  }
0x90: {  	(tm) =	ssettm $0x1  }
0x91: {  	s17 =	sld [smem:$0x3FFB];
	_ =	sdelay $0x3  }
0x92: {  	_ =	strace s17  }
0x93: {  	s2 =	sld [smem:$0x3FFC];
	_ =	sdelay $0x3  }
0x94: {  	_ =	strace s2  }
0x95: {  	s2 =	sld [smem:$0x3FFD];
	_ =	sdelay $0x3  }
0x96: {  	_ =	strace s2  }
0x97: {  	_ =	strace $0x8FFFFFFF  }
0x98: {  	s18 =	sld [smem:$0x3FDB];
	_ =	sdelay $0x1  }
0x99: {  	s19 =	simm.s32 $_scs_section_size  }
0x9a: {  	s4 =	simm.s32 $_size__tile_overlayer_lowered;
	s5 =	simm.s32 $_tile_overlayer_lowered  }
0x9b: {  	s22 =	simm.s32 $0x1BFF;
	s21 =	sshll.u32 s5, $0x1;
	s2 =	sadd.s32 s19, s18  }
0x9c: {  	s6 =	simm.s32 $0x0;
	s20 =	sshll.u32 s4, $0x1;
	s4 =	sadd.s32 s21, s2  }
0x9d: {  	[timem:s6], [sflag:s22] =	dma.local [hbm:s4], s20  }
0x9e: {  	_ =	swait.ge [sflag:s22], s20  }
0x9f: {  	s3 =	ssub.s32 $0x0, s20;
	[sflag:s22] =	ssyncset.done $0x0  }
0xa0: {  	[sflag:s22] =	ssyncadd.s32 s3;
	_ =	sdelay $0x1  }
0xa1: {  	s23 =	simm.s32 $0x1B8B  }
0xa2: {  	_ =	swait.ge [sflag:s23], $0x1  }
0xa3: {  	[sflag:s23] =	ssyncset.done $0x0  }
0xa4: {  	s25 =	simm.s32 $0x1B8E;
	s24 =	sld [smem:$0x3FFE];
	[sflag:s23] =	ssyncadd.s32 $0xFFFFFFFF  }
0xa5: {  	s26 =	simm.s32 $execute0_lowered;
	[smem:$0x3FD2] =	sst s25  }
0xa6: {  	s4 =	sshll.u32 s26, $0x1;
	_ =	strace $0x80000046;
	[dreg:$0x1] =	wrdreg $0xFFFFFFFF  }
0xa7: {  	s28 =	simm.s32 $_size_execute0_lowered;
	s2 =	sadd.s32 s2, s4;
	[dreg:$0x0] =	wrdreg $0x0  }
0xa8: {  	s4 =	sshll.u32 s28, $0x1;
	[dreg:$0x2] =	wrdreg s2  }
0xa9: {  	[dreg:$0x3] =	wrdreg s4  }
0xaa: {  	[dreg:$0x4] =	wrdreg $0xC0  }
0xab: {  	_ =	task [dreg:s6], $0x5FFFF  }
0xac: {  	[dreg:$0x1] =	wrdreg $0xFFFFFFFF  }
0xad: {  	[dreg:$0x0] =	wrdreg $0x60  }
0xae: {  	[dreg:$0x2] =	wrdreg s24  }
0xaf: {  	[dreg:$0x3] =	wrdreg $0x2B000  }
0xb0: {  	[dreg:$0x4] =	wrdreg $0x9  }
0xb1: {  	_ =	task.clear_ibuf [dreg:s6], $0x5FFFF;
	_ =	strace $0x90000046  }
0xb2: {  	s29 =	simm.s32 $0x9;
	_ =	strace $0x80000048  }
0xb3: {  	_ =	swait.ge [sflag:s29], $0x1  }
0xb4: {  	[sflag:s29] =	ssyncadd.s32 $0xFFFFFFFF  }
0xb5: {  	_ =	strace $0x90000048  }
0xb6: {  	_ =	sfence  }
0xb7: {  	s30 =	sld [smem:$0x0];
	_ =	sdelay $0x2  }
0xb8: {  	s31 =	sshll.u32 s1, $0xD;
	s1 =	sshrl.u32 s1, $0x2  }
0xb9: {  	s3 =	sand.u32 $0x4000, s31;
	s1 =	sadd.s32 s1, s30  }
0xba: {  	s0 =	sor.u32 s3, s0;
	s1 =	sshll.u32 s1, $0x11  }
0xbb: {  	s0 =	sor.u32 s1, s0  }
0xbc: {  	s0 =	sadd.s32 $0x8F2B, s0  }
0xbd: {  	[sflag:s0] =	ssyncadd.remote.s32 $0x1  }
0xbe: {  	_ =	sfence.sel $0xFFFF  }
0xbf: {  	[dreg:$0x0] =	wrdreg $0xFFFFFFFF;
	(pc) =	sbr.abs _section_cstart, $3  }
0xc0: {  	[dreg:$0x1] =	wrdreg $0xFFFFFFFF  }
0xc1: {  	_ =	task.clear_ibuf [dreg:s6], $0x2FFFF;
	_ =	strace $0x9FFFFFFF  }
0xc2: {  	(tm) =	ssettm $0x7FFFFFFF  }
0xc3: {  	_ =	shalt  }
tec
execute0_lowered:
.L_overlay_start_1:
0x0: {  	(tag) =	ssettag $0x1  }
0x1: {  	s4 =	rddreg [dreg:$0x0];
	s0 =	srdreg.scid  }
0x2: {  	s2 =	rddreg [dreg:$0x1];
	s1 =	stileid.u32  }
0x3: {  	s3 =	simm.s32 $0x0;
	s10 =	simm.s32 $0x80;
	s11 =	simm.s32 $0x2800  }
0x4: {  	s12 =	simm.s32 $0x1;
	s15 =	simm.s32 $0x20;
	s16 =	simm.s32 $0x10  }
0x5: {  	s5 =	sand.u32 $0x1, s0;
	s0 =	rddreg [dreg:$0x2];
	s7 =	smul.u32 $0x500, s1  }
0x6: {  	s17 =	simm.s32 $0x0;
	[smem:$0x7FF] =	sst s3;
	s30 =	smul.u32 $0xA00, s1  }
0x7: {  	s13 =	sshll.u32 s1, $0x6;
	s6 =	smul.u32 $0x5000, s5;
	_ =	strace $0x80000047  }
0x8: {  	s8 =	sshll.u32 s5, $0x7;
	s5 =	ssub.s32 $0x2, s5;
	s13 =	sor.u32 $0x1C02, s13  }
0x9: {  	s9 =	sshrl.u32 s5, $0x1;
	s31 =	sshrl.u32 s30, $0x2;
	s6 =	sadd.s32 s7, s6  }
0xa: {  	s7 =	sor.u32 s8, s7;
	s9 =	ssub.s32 s5, s9;
	s5 =	sadd.s32 s31, s2  }
0xb: {  	s8 =	simm.s32 $0x2;
	s6 =	sadd.s32 s6, s4;
	s7 =	sshrl.u32 s7, $0x3  }
0xc: {  	s14 =	sshrl.u32 s5, $0x3;
	s7 =	sadd.s32 s7, s4;
	s4 =	sadd.s32 $0x1400, s6  }
0xd: {  	v0 =	vimm.f32 $0.0e+00;
	v1 =	vimm.f32 $1.000000000e+00;
	s6 =	sadd.s32 $0xB400, s7;
	s7 =	smax.u32 s9, $0x1;
	s9 =	simm.s32 $0x2880  }
.LBB2_1:
0xe: {  	[tilespmem:$0x2880] =	vst v0  }
0xf: {  	[tilespmem:$0x2890] =	vst v0  }
0x10: {  	[tilespmem:$0x28A0] =	vst v0  }
0x11: {  	[tilespmem:$0x28B0] =	vst v0  }
0x12: {  	[tilespmem:$0x28C0] =	vst v0  }
0x13: {  	[tilespmem:$0x28D0] =	vst v0  }
0x14: {  	[tilespmem:$0x28E0] =	vst v0  }
0x15: {  	[tilespmem:$0x28F0] =	vst v0  }
0x16: {  	[tilespmem:$0x2900] =	vst v0  }
0x17: {  	[tilespmem:$0x2910] =	vst v0  }
0x18: {  	[tilespmem:$0x2920] =	vst v0  }
0x19: {  	[tilespmem:$0x2930] =	vst v0  }
0x1a: {  	[tilespmem:$0x2940] =	vst v0  }
0x1b: {  	[tilespmem:$0x2950] =	vst v0  }
0x1c: {  	[tilespmem:$0x2960] =	vst v0  }
0x1d: {  	[tilespmem:$0x2970] =	vst v0  }
0x1e: {  	[tilespmem:$0x2980] =	vst v0  }
0x1f: {  	[tilespmem:$0x2990] =	vst v0  }
0x20: {  	[tilespmem:$0x29A0] =	vst v0  }
0x21: {  	[tilespmem:$0x29B0] =	vst v0  }
0x22: {  	[tilespmem:$0x29C0] =	vst v0  }
0x23: {  	[tilespmem:$0x29D0] =	vst v0  }
0x24: {  	[tilespmem:$0x29E0] =	vst v0  }
0x25: {  	[tilespmem:$0x29F0] =	vst v0  }
0x26: {  	[tilespmem:$0x2A00] =	vst v0  }
0x27: {  	[tilespmem:$0x2A10] =	vst v0  }
0x28: {  	[tilespmem:$0x2A20] =	vst v0  }
0x29: {  	[tilespmem:$0x2A30] =	vst v0  }
0x2a: {  	[tilespmem:$0x2A40] =	vst v0  }
0x2b: {  	[tilespmem:$0x2A50] =	vst v0  }
0x2c: {  	[tilespmem:$0x2A60] =	vst v0  }
0x2d: {  	[tilespmem:$0x2A70] =	vst v0  }
0x2e: {  	[tilespmem:$0x2A80] =	vst v0  }
0x2f: {  	[tilespmem:$0x2A90] =	vst v0  }
0x30: {  	[tilespmem:$0x2AA0] =	vst v0  }
0x31: {  	[tilespmem:$0x2AB0] =	vst v0  }
0x32: {  	[tilespmem:$0x2AC0] =	vst v0  }
0x33: {  	[tilespmem:$0x2AD0] =	vst v0  }
0x34: {  	[tilespmem:$0x2AE0] =	vst v0  }
0x35: {  	[tilespmem:$0x2AF0] =	vst v0  }
0x36: {  	[tilespmem:$0x2800] =	vst v1  }
0x37: {  	[tilespmem:$0x2810] =	vst v1  }
0x38: {  	[tilespmem:$0x2820] =	vst v1  }
0x39: {  	[tilespmem:$0x2830] =	vst v1  }
0x3a: {  	[tilespmem:$0x2840] =	vst v1  }
0x3b: {  	[tilespmem:$0x2850] =	vst v1  }
0x3c: {  	[tilespmem:$0x2860] =	vst v1  }
0x3d: {  	[tilespmem:$0x2870] =	vst v1  }
0x3e: {  	[tilespmem:s3], [sflag:$0x2] =	stream.linear.gather [hbm4b:s4+s3], $0x2800, $0x38;
	[tilespmem:$0x2D80] =	vst v63  }
0x3f: {  	_ =	swait.ge [sflag:s8], $0x2800  }
0x40: {  	[sflag:s8] =	ssyncset.done $0x0  }
0x41: {  	[sflag:s8] =	ssyncadd.s32 $0xFFFFD800  }
0x42: {  	[spmem:s5] =	stream.linear.scatter [tilespmem:s9], [sflag:$0x2], $0x280, $0x38;
	[tilespmem:$0x2D80] =	vst v63  }
0x43: {  	_ =	swait.ge [sflag:s8], $0x280  }
0x44: {  	[sflag:s8] =	ssyncset.done $0x0  }
0x45: {  	[sflag:s8] =	ssyncadd.s32 $0xFFFFFD80  }
0x46: {  	s18 =	simm.s32 $0x0;
	[bflag:$0x0] =	sbarrier.arrive $0xFFFF  }
.LBB2_2:
0x47: {  	p0 =	sne.s32 s18, $0x9E00  }
.Ltmp0:
0x48: {  	_ = 	snop;
	(pc) =	sbr.rel @p0 .LBB2_2-.Ltmp0, $3  }
0x49: {  	_ =	sdelay $0x1  }
0x4a: {  	s19 =	sshra.s32 s18, $0x2;
	s18 =	sadd.s32 $0x200, s18  }
0x4b: {  	[spmem:s2] =	stream.indirect.scatter.add.f32 [tilespmem:s11], [sflag:$0x1], $0x1, s19, s10, $0xb8;
	[tilespmem:$0x2D80] =	vst v63  }
0x4c: {  	_ =	swait.ge [sflag:s12], $0x80  }
0x4d: {  	s18 =	simm.s32 $0x4F;
	[sflag:s12] =	ssyncset.done $0x0  }
.LBB2_4:
0x4e: {  	p0 =	sne.s32 s18, $0x1;
	s18 =	sadd.s32 $0xFFFFFFFF, s18;
	[sflag:s12] =	ssyncadd.s32 $0xFFFFFF80  }
.Ltmp1:
0x4f: {  	(pc) =	sbr.rel @p0 .LBB2_4-.Ltmp1, $3  }
0x50: {  	_ =	sdelay $0x1  }
0x51: {  	_ =	swait.ge [sflag:s12], $0x80  }
0x52: {  	[sflag:s12] =	ssyncset.done $0x0  }
0x53: {  	s17 =	sadd.s32 $0x1, s17  }
0x54: {  	[sflag:s12] =	ssyncadd.s32 $0xFFFFFF80;
	p0 =	sne.s32 s17, s7  }
.Ltmp2:
0x55: {  	[bflag:$0x0] =	sbarrier.arrive $0xFFFF;
	(pc) =	sbr.rel @p0 .LBB2_1-.Ltmp2, $4  }
0x56: {  	[hbm:s6@s15], [sflag:s13] =	dma.strided [spmem:s14@s16], $0x50, s12, $0x10   }
0x57: {  	_ =	swait.ge [sflag:s8], $0x50  }
0x58: {  	[sflag:s8] =	ssyncset.done $0x0  }
0x59: {  	[sflag:s8] =	ssyncadd.s32 $0xFFFFFFB0  }
0x5a: {  	_ =	sfence.sel $0x180000  }
0x5b: {  	[bflag:$0x0] =	sbarrier.arrive $0xFFFF  }
0x5c: {  	p0 =	sne.s32 s1, $0x0;
	_ =	strace $0x90000047  }
0x5d: {  	s0 =	sadd.s32 @!p0 $0x100000, s0;
	[bflag:$0x2] =	sbarrier.arrive $0xFFFF  }
0x5e: {  	[sflag:s0] =	ssyncadd.tile.s32 @!p0 $0x1;
	_ =	shalt  }
.Lfunc_end2:
_tile_overlayer_lowered:
.L_overlay_start_2:
0x5f: {  	(tag) =	ssettag $0x2  }
0x60: {  	s0 =	rddreg [dreg:$0x0];
	s2 =	stileid.u32  }
0x61: {  	s1 =	rddreg [dreg:$0x1];
	p0 =	sne.s32 s2, $0x0  }
0x62: {  	s3 =	rddreg [dreg:$0x2];
	[bflag:$0x3] =	sbarrier.arrive $0xFFFF;
	s2 =	simm.s32 @!p0 $0x1C02  }
0x63: {  	[timem:s3], [sflag:s2] =	dma.local @!p0 [hbm:s0], s1  }
0x64: {  	s0 =	simm.s32 @!p0 $0x2  }
0x65: {  	_ =	swait.ge @!p0 [sflag:s0], s1  }
0x66: {  	s1 =	ssub.s32 @!p0 $0x0, s1;
	[sflag:s0] =	ssyncset.done @!p0 $0x0  }
0x67: {  	[sflag:s0] =	ssyncadd.s32 @!p0 s1  }
0x68: {  	[bflag:$0x3] =	sbarrier.arrive $0xFFFF  }
0x69: {  	_ =	shalt  }

// kernel: kernel.9.cloned.1.call-start
scs
__scs_entry_jumppad:
0x0: {  	(pc) =	sbr.rel $0x88, $3  }
0x1: {  	(tag) =	ssettag $0x0;
	lr =	simm.s32 $0x1  }
0x2: {  	[smem:$0x3F9D] =	sst lr;
	_ =	strace $0xD0000000  }
0x3: {  	_ = 	snop  }
0x4: {  	_ = 	snop  }
0x5: {  	_ = 	snop  }
0x6: {  	_ = 	snop  }
0x7: {  	_ = 	snop  }
__scs_overlays_trampoline_lowered:
0x8: {  	[smem:$0x3FAC] =	sst s0  }
0x9: {  	[smem:$0x3FAD] =	sst s1  }
0xa: {  	[smem:$0x3FAE] =	sst s2  }
0xb: {  	[smem:$0x3FAF] =	sst s3  }
0xc: {  	[smem:$0x3FB0] =	sst s4  }
0xd: {  	[smem:$0x3FB1] =	sst s5  }
0xe: {  	[smem:$0x3FB2] =	sst s6  }
0xf: {  	[smem:$0x3FB3] =	sst s7  }
0x10: {  	[smem:$0x3FB4] =	sst s8  }
0x11: {  	[smem:$0x3FB5] =	sst s9;
	s0 =	simm.s32 @!p0 $0x0  }
0x12: {  	s1 =	sld [smem:$0x3F9B];
	s0 =	simm.s32 @p0 $0x1  }
0x13: {  	[smem:$0x3FB6] =	sst s0;
	s0 =	simm.s32 @!p1 $0x0  }
0x14: {  	s2 =	sld [smem:$0x3F9A];
	s0 =	simm.s32 @p1 $0x1  }
0x15: {  	[smem:$0x3FB7] =	sst s0;
	s0 =	simm.s32 @!p2 $0x0  }
0x16: {  	s3 =	sld [smem:$0x3FDB];
	s0 =	simm.s32 @p2 $0x1  }
0x17: {  	s4 =	simm.s32 $0x1BF5;
	[smem:$0x3FB9] =	sst s0  }
0x18: {  	s0 =	sld [smem:$0x3F9C];
	_ =	swait.ge [sflag:s4], $0x0  }
0x19: {  	s7 =	sld [smem:$0x3F9D]  }
0x1a: {  	s8 =	sadd.s32 $0xFFFFE003, lr  }
0x1b: {  	s9 =	sadd.s32 $0xFFFFFEF7, lr;
	s5 =	simm.s32 $0xFFFFFFFF;
	p2 =	slt.u32 s8, $0xFFFFF086  }
0x1c: {  	p1 =	slt.u32 s9, $0xF7A;
	s5 =	simm.s32 @!p2 $0x0  }
0x1d: {  	s5 =	simm.s32 @p1 $0x1;
	p0 =	seq.s32 s7, s2  }
0x1e: {  	s7 =	smul.u32 @!p0 $0xF7A, s2;
	p2 =	seq.s32 @!p0 s5, $0x0  }
0x1f: {  	s9 =	smul.u32 $0xF7A, s1;
	s8 =	simm.s32 @!p0 $0x1BF5;
	p2 =	por !p2, p0  }
0x20: {  	[sflag:s8] =	ssyncset.s32 @!p0 $0xFFFFF086;
	s6 =	sadd.s32 @!p0 s3, s7;
	s7 =	simm.s32 @!p0 $0x108  }
0x21: {  	s3 =	sadd.s32 s3, s9;
	s6 =	sadd.s32 @!p0 $0x88, s6;
	s7 =	simm.s32 @p2 $0x1082  }
0x22: {  	[simem:s7], [sflag:s8] =	dma.local @!p0 [hbm:s6], $0xF7A  }
0x23: {  	s9 =	sor.u32 $0xD0000000, s2;
	s6 =	simm.s32 $0x108;
	_ =	swait.ge @!p0 [sflag:s8], $0x0  }
0x24: {  	s3 =	sadd.s32 $0x88, s3;
	s6 =	simm.s32 @!p1 $0x1082;
	[sflag:s4] =	ssyncset.s32 $0xFFFFF086  }
0x25: {  	[simem:s6], [sflag:s4] =	dma.local [hbm:s3], $0xF7A  }
0x26: {  	[smem:$0x3F9D] =	sst s1;
	(tag) =	ssettag s2;
	_ =	strace s9  }
0x27: {  	s1 =	sld [smem:$0x3FAD]  }
0x28: {  	s2 =	sld [smem:$0x3FAE]  }
0x29: {  	s4 =	sld [smem:$0x3FB0]  }
0x2a: {  	p0 =	seq.s32 s5, $0x0;
	s5 =	sld [smem:$0x3FB1]  }
0x2b: {  	s6 =	sld [smem:$0x3FB2]  }
0x2c: {  	s7 =	sld [smem:$0x3FB3]  }
0x2d: {  	s3 =	simm.s32 $0x108;
	s8 =	sld [smem:$0x3FB4]  }
0x2e: {  	s3 =	simm.s32 @!p0 $0x1082;
	s9 =	sld [smem:$0x3FB5]  }
0x2f: {  	lr =	sadd.s32 s0, s3;
	s0 =	sld [smem:$0x3FAC]  }
0x30: {  	s3 =	sld [smem:$0x3FAF]  }
0x31: {  	[smem:$0x3FB8] =	sst s10  }
0x32: {  	s10 =	sld [smem:$0x3FB6];
	_ =	sdelay $0x3  }
0x33: {  	p0 =	seq.s32 s10, $0x1;
	s10 =	sld [smem:$0x3FB8];
	_ =	sdelay $0x3  }
0x34: {  	[smem:$0x3FB8] =	sst s10  }
0x35: {  	s10 =	sld [smem:$0x3FB7];
	_ =	sdelay $0x3  }
0x36: {  	p1 =	seq.s32 s10, $0x1;
	s10 =	sld [smem:$0x3FB8];
	_ =	sdelay $0x3  }
0x37: {  	[smem:$0x3FB8] =	sst s10  }
0x38: {  	s10 =	sld [smem:$0x3FB9]  }
0x39: {  	_ = 	snop;
	(pc) =	sbr.ind lr, $3  }
0x3a: {  	_ = 	snop  }
0x3b: {  	_ = 	snop  }
0x3c: {  	p2 =	seq.s32 s10, $0x1;
	s10 =	sld [smem:$0x3FB8]  }
0x3d: {  	_ =	shalt  }
0x3e: {  	_ =	shalt  }
0x3f: {  	_ =	shalt  }
0x40: {  	_ =	shalt  }
0x41: {  	_ =	shalt  }
0x42: {  	_ =	shalt  }
0x43: {  	_ =	shalt  }
0x44: {  	_ =	shalt  }
0x45: {  	_ =	shalt  }
0x46: {  	_ =	shalt  }
0x47: {  	_ =	shalt  }
0x48: {  	_ =	shalt  }
0x49: {  	_ =	shalt  }
0x4a: {  	_ =	shalt  }
0x4b: {  	_ =	shalt  }
0x4c: {  	_ =	shalt  }
0x4d: {  	_ =	shalt  }
0x4e: {  	_ =	shalt  }
0x4f: {  	_ =	shalt  }
0x50: {  	_ =	shalt  }
0x51: {  	_ =	shalt  }
0x52: {  	_ =	shalt  }
0x53: {  	_ =	shalt  }
0x54: {  	_ =	shalt  }
0x55: {  	_ =	shalt  }
0x56: {  	_ =	shalt  }
0x57: {  	_ =	shalt  }
0x58: {  	_ =	shalt  }
0x59: {  	_ =	shalt  }
0x5a: {  	_ =	shalt  }
0x5b: {  	_ =	shalt  }
0x5c: {  	_ =	shalt  }
0x5d: {  	_ =	shalt  }
0x5e: {  	_ =	shalt  }
0x5f: {  	_ =	shalt  }
0x60: {  	_ =	shalt  }
0x61: {  	_ =	shalt  }
0x62: {  	_ =	shalt  }
0x63: {  	_ =	shalt  }
0x64: {  	_ =	shalt  }
0x65: {  	_ =	shalt  }
0x66: {  	_ =	shalt  }
0x67: {  	_ =	shalt  }
0x68: {  	_ =	shalt  }
0x69: {  	_ =	shalt  }
0x6a: {  	_ =	shalt  }
0x6b: {  	_ =	shalt  }
0x6c: {  	_ =	shalt  }
0x6d: {  	_ =	shalt  }
0x6e: {  	_ =	shalt  }
0x6f: {  	_ =	shalt  }
0x70: {  	_ =	shalt  }
0x71: {  	_ =	shalt  }
0x72: {  	_ =	shalt  }
0x73: {  	_ =	shalt  }
0x74: {  	_ =	shalt  }
0x75: {  	_ =	shalt  }
0x76: {  	_ =	shalt  }
0x77: {  	_ =	shalt  }
0x78: {  	_ =	shalt  }
0x79: {  	_ =	shalt  }
0x7a: {  	_ =	shalt  }
0x7b: {  	_ =	shalt  }
0x7c: {  	_ =	shalt  }
0x7d: {  	_ =	shalt  }
0x7e: {  	_ =	shalt  }
0x7f: {  	_ =	shalt  }
0x80: {  	_ =	shalt  }
0x81: {  	_ =	shalt  }
0x82: {  	_ =	shalt  }
0x83: {  	_ =	shalt  }
0x84: {  	_ =	shalt  }
0x85: {  	_ =	shalt  }
0x86: {  	_ =	shalt  }
0x87: {  	_ =	shalt  }
.Lfunc_end0:
.L_simem_size_0:
called_computation.1_lowered:
.L_overlay_start_0:
0x88: {  	s2 =	sld [smem:$0x3FD9]  }
0x89: {  	s3 =	sld [smem:$0x3FFE];
	_ =	sdelay $0x1  }
0x8a: {  	s1 =	srdreg.scid  }
0x8b: {  	s0 =	sand.u32 $0x1, s1  }
0x8c: {  	s17 =	sshll.u32 s0, $0xA;
	s2 =	sadd.s32 s3, s2  }
0x8d: {  	s2 =	sadd.s32 s2, s17  }
0x8e: {  	[smem:$0x3FC4] =	sst s2  }
0x8f: {  	_ = 	snop  }
0x90: {  	s2 =	sld [smem:$0x3FD0];
	(tm) =	ssettm $0x1  }
0x91: {  	s18 =	sld [smem:$0x3FFB];
	_ =	sdelay $0x3  }
0x92: {  	_ =	strace s18  }
0x93: {  	s3 =	sld [smem:$0x3FFC];
	_ =	sdelay $0x3  }
0x94: {  	_ =	strace s3  }
0x95: {  	s3 =	sld [smem:$0x3FFD];
	_ =	sdelay $0x3  }
0x96: {  	_ =	strace s3  }
0x97: {  	_ =	strace $0x8FFFFFFF  }
0x98: {  	s19 =	sld [smem:$0x3FDB];
	_ =	sdelay $0x1  }
0x99: {  	s4 =	simm.s32 $_scs_section_size  }
0x9a: {  	s5 =	simm.s32 $_size__tile_overlayer_lowered;
	s6 =	simm.s32 $_tile_overlayer_lowered  }
0x9b: {  	s22 =	simm.s32 $0x1BFF;
	s21 =	sshll.u32 s6, $0x1;
	s3 =	sadd.s32 s4, s19  }
0x9c: {  	s7 =	simm.s32 $0x0;
	s20 =	sshll.u32 s5, $0x1;
	s5 =	sadd.s32 s21, s3  }
0x9d: {  	[timem:s7], [sflag:s22] =	dma.local [hbm:s5], s20  }
0x9e: {  	_ =	swait.ge [sflag:s22], s20  }
0x9f: {  	s4 =	ssub.s32 $0x0, s20;
	[sflag:s22] =	ssyncset.done $0x0  }
0xa0: {  	[sflag:s22] =	ssyncadd.s32 s4;
	_ =	sdelay $0x1  }
0xa1: {  	s23 =	simm.s32 $0x1B8B  }
0xa2: {  	_ =	swait.ge [sflag:s23], $0x1  }
0xa3: {  	[sflag:s23] =	ssyncset.done $0x0  }
0xa4: {  	s25 =	simm.s32 $0x1B8E;
	s24 =	sld [smem:$0x3FFE];
	[sflag:s23] =	ssyncadd.s32 $0xFFFFFFFF  }
0xa5: {  	s26 =	simm.s32 $execute0_lowered;
	[smem:$0x3FD2] =	sst s25  }
0xa6: {  	s5 =	sshll.u32 s26, $0x1;
	_ =	strace $0x80000049;
	[dreg:$0x1] =	wrdreg $0xFFFFFFFF  }
0xa7: {  	s28 =	simm.s32 $_size_execute0_lowered;
	s3 =	sadd.s32 s3, s5;
	[dreg:$0x0] =	wrdreg $0x0  }
0xa8: {  	s5 =	sshll.u32 s28, $0x1;
	[dreg:$0x2] =	wrdreg s3  }
0xa9: {  	[dreg:$0x3] =	wrdreg s5  }
0xaa: {  	[dreg:$0x4] =	wrdreg $0xC0  }
0xab: {  	_ =	task [dreg:s7], $0x5FFFF  }
0xac: {  	[dreg:$0x1] =	wrdreg $0xFFFFFFFF  }
0xad: {  	[dreg:$0x0] =	wrdreg $0x60  }
0xae: {  	[dreg:$0x2] =	wrdreg s24  }
0xaf: {  	[dreg:$0x3] =	wrdreg s2  }
0xb0: {  	[dreg:$0x4] =	wrdreg $0xA0000  }
0xb1: {  	[dreg:$0x5] =	wrdreg $0x9  }
0xb2: {  	_ =	task.clear_ibuf [dreg:s7], $0x6FFFF;
	_ =	strace $0x90000049  }
0xb3: {  	s29 =	simm.s32 $0x9;
	_ =	strace $0x8000004B  }
0xb4: {  	_ =	swait.ge [sflag:s29], $0x1  }
0xb5: {  	[sflag:s29] =	ssyncadd.s32 $0xFFFFFFFF  }
0xb6: {  	_ =	strace $0x9000004B  }
0xb7: {  	_ =	sfence  }
0xb8: {  	s30 =	sld [smem:$0x0];
	_ =	sdelay $0x2  }
0xb9: {  	s31 =	sshll.u32 s1, $0xD;
	s1 =	sshrl.u32 s1, $0x2  }
0xba: {  	s3 =	sand.u32 $0x4000, s31;
	s1 =	sadd.s32 s1, s30  }
0xbb: {  	s0 =	sor.u32 s3, s0;
	s1 =	sshll.u32 s1, $0x11  }
0xbc: {  	s0 =	sor.u32 s1, s0  }
0xbd: {  	s0 =	sadd.s32 $0x8F2B, s0  }
0xbe: {  	[sflag:s0] =	ssyncadd.remote.s32 $0x1  }
0xbf: {  	_ =	sfence.sel $0xFFFF  }
0xc0: {  	[dreg:$0x0] =	wrdreg $0xFFFFFFFF;
	(pc) =	sbr.abs _section_cstart, $3  }
0xc1: {  	[dreg:$0x1] =	wrdreg $0xFFFFFFFF  }
0xc2: {  	_ =	task.clear_ibuf [dreg:s7], $0x2FFFF;
	_ =	strace $0x9FFFFFFF  }
0xc3: {  	(tm) =	ssettm $0x7FFFFFFF  }
tec
execute0_lowered:
.L_overlay_start_1:
0x0: {  	(tag) =	ssettag $0x1  }
0x1: {  	s5 =	rddreg [dreg:$0x0]  }
0x2: {  	s12 =	rddreg [dreg:$0x1];
	s2 =	srdreg.scid  }
0x3: {  	s1 =	rddreg [dreg:$0x2];
	s3 =	simm.s32 $0x0;
	s9 =	sand.u32 $0x1, s2  }
0x4: {  	s17 =	simm.s32 $0x4;
	s2 =	stileid.u32;
	s6 =	smul.u32 $0x140000, s9  }
0x5: {  	s19 =	simm.s32 $0x3;
	s20 =	simm.s32 $0x80;
	s7 =	smul.u32 $0x14000, s2  }
0x6: {  	s21 =	simm.s32 $0x6000;
	s22 =	simm.s32 $0x1;
	s8 =	smul.u32 $0x500, s9  }
0x7: {  	s23 =	simm.s32 $0x2;
	[smem:$0x7FF] =	sst s3;
	s24 =	smul.u32 $0x50, s2  }
0x8: {  	s4 =	sadd.s32 $0xB400, s5;
	s13 =	sadd.s32 $0x1400, s5;
	s10 =	smul.u32 $0x50000, s2  }
0x9: {  	_ =	strace $0x8000004A;
	s25 =	ssub.s32 $0x2, s9;
	s15 =	smul.u32 $0x5000, s9  }
0xa: {  	s31 =	smul.u32 $0x500, s2;
	s28 =	sshrl.u32 s25, $0x1;
	s6 =	sadd.s32 s7, s6  }
0xb: {  	s26 =	sadd.s32 s24, s8;
	s29 =	sshrl.u32 s10, $0x2;
	s14 =	ssub.s32 s25, s28  }
0xc: {  	s24 =	simm.s32 $0x0;
	s6 =	sshrl.u32 s6, $0x3;
	s30 =	sshll.u32 s26, $0x4  }
0xd: {  	s9 =	smax.u32 s14, $0x1;
	s11 =	sadd.s32 s6, s5;
	s5 =	sadd.s32 s29, s1  }
.Ltmp0:
0xe: {  	s6 =	sadd.s32 s13, s30;
	s7 =	sadd.s32 s12, s30;
	(pc) =	sbr.rel .LBB2_1-.Ltmp0, $4  }
0xf: {  	s13 =	sadd.s32 s15, s13;
	s15 =	sadd.s32 s15, s12;
	s8 =	sadd.s32 $0x33400, s11  }
0x10: {  	s10 =	sadd.s32 $0x4000, s5;
	s11 =	sadd.s32 $0x8000, s5;
	s12 =	sadd.s32 $0xC000, s5  }
0x11: {  	s16 =	sadd.s32 s31, s13;
	s15 =	sadd.s32 s31, s15;
	s13 =	sadd.s32 $0x10000, s5  }
0x12: {  	v0 =	vimm.f32 $0.0e+00;
	s14 =	sadd.s32 $0x100, s16;
	s15 =	sadd.s32 $0x100, s15;
	s16 =	simm.s32 $0x2000  }
.LBB2_5:
0x13: {  	_ =	swait.ge [sflag:s23], $0x4000  }
0x14: {  	[sflag:s23] =	ssyncset.done $0x0  }
0x15: {  	s0 =	sadd.s32 $0x1780, s30;
	[sflag:s23] =	ssyncadd.s32 $0xFFFFC000  }
0x16: {  	[spmem:s1] =	stream.indirect.scatter.add.f32 [tilespmem:s21], [sflag:$0x4], $0x80, s0, s20, $0xb8;
	[tilespmem:$0x1E000] =	vst v63  }
0x17: {  	_ =	swait.ge [sflag:s17], $0x4000  }
0x18: {  	[sflag:s17] =	ssyncset.done $0x0  }
0x19: {  	[sflag:s17] =	ssyncadd.s32 $0xFFFFC000  }
.LBB2_7:
0x1a: {  	s24 =	sadd.s32 $0x1, s24  }
0x1b: {  	s0 =	sshll.u32 s2, $0x6;
	[bflag:$0x0] =	sbarrier.arrive $0xFFFF;
	p0 =	sne.s32 s24, s9  }
.Ltmp1:
0x1c: {  	s18 =	sshrl.u32 s5, $0x3;
	s0 =	sor.u32 $0x1C04, s0;
	(pc) =	sbr.rel @!p0 .LBB2_8-.Ltmp1, $4  }
0x1d: {  	[hbm:s8], [sflag:s0] =	dma.local [spmem:s18], $0x2800  }
0x1e: {  	_ =	swait.ge [sflag:s17], $0x2800  }
0x1f: {  	[sflag:s17] =	ssyncset.done $0x0  }
0x20: {  	[sflag:s17] =	ssyncadd.s32 $0xFFFFD800  }
.LBB2_1:
0x21: {  	s25 =	sand.u32 $0xFE00, s3  }
0x22: {  	s26 =	sand.u32 $0x70, s3;
	s28 =	sshrl.u32 s25, $0x2  }
0x23: {  	s25 =	simm.s32 $0x40;
	s28 =	sor.u32 s26, s28;
	s26 =	simm.s32 $0x0  }
.LBB2_2:
0x24: {  	p0 =	sne.s32 s25, $0xFFC0  }
0x25: {  	[tilespmem:s28+$0x2000] =	vst v0;
	s26 =	sadd.s32 $0x10, s26;
	s28 =	smov.u32 s25;
	s25 =	sadd.s32 $0x40, s25  }
.Ltmp2:
0x26: {  	(pc) =	sbr.rel @p0 .LBB2_2-.Ltmp2, $4  }
0x27: {  	_ = 	snop  }
0x28: {  	s28 =	sand.u32 $0xFE00, s28  }
0x29: {  	s29 =	sand.u32 $0x70, s26;
	s28 =	sshrl.u32 s28, $0x2  }
0x2a: {  	s28 =	sor.u32 s29, s28  }
0x2b: {  	[tilespmem:s28+$0x2000] =	vst v0  }
0x2c: {  	[spmem:s5] =	stream.linear.scatter [tilespmem:s16], [sflag:$0x3], $0x4000, $0x38;
	[tilespmem:$0x1E000] =	vst v63  }
0x2d: {  	_ = 	snop  }
0x2e: {  	[spmem:s10] =	stream.linear.scatter [tilespmem:s16], [sflag:$0x3], $0x4000, $0x38;
	[tilespmem:$0x1E000] =	vst v63  }
0x2f: {  	_ = 	snop  }
0x30: {  	[spmem:s11] =	stream.linear.scatter [tilespmem:s16], [sflag:$0x3], $0x4000, $0x38;
	[tilespmem:$0x1E000] =	vst v63  }
0x31: {  	_ = 	snop  }
0x32: {  	[spmem:s12] =	stream.linear.scatter [tilespmem:s16], [sflag:$0x3], $0x4000, $0x38;
	[tilespmem:$0x1E000] =	vst v63  }
0x33: {  	_ = 	snop  }
0x34: {  	[spmem:s13] =	stream.linear.scatter [tilespmem:s16], [sflag:$0x3], $0x4000, $0x38;
	[tilespmem:$0x1E000] =	vst v63  }
0x35: {  	s25 =	simm.s32 $0x0  }
0x36: {  	[tilespmem:s25], [sflag:$0x4] =	stream.linear.gather [hbm4b:s6+s25], $0x800, $0x38;
	[tilespmem:$0x1E000] =	vst v63  }
0x37: {  	_ =	swait.ge [sflag:s17], $0x800  }
0x38: {  	[sflag:s17] =	ssyncset.done $0x0  }
0x39: {  	s0 =	simm.s32 $0x1000;
	[sflag:s17] =	ssyncadd.s32 $0xFFFFF800  }
0x3a: {  	[tilespmem:s0], [sflag:$0x4] =	stream.linear.gather [hbm4b:s7+s25], $0x800, $0x38;
	[tilespmem:$0x1E000] =	vst v63  }
0x3b: {  	_ =	swait.ge [sflag:s17], $0x800  }
0x3c: {  	[sflag:s17] =	ssyncset.done $0x0  }
0x3d: {  	[sflag:s17] =	ssyncadd.s32 $0xFFFFF800  }
0x3e: {  	_ =	swait.ge [sflag:s19], $0x4000  }
0x3f: {  	[sflag:s19] =	ssyncset.done $0x0  }
0x40: {  	[sflag:s19] =	ssyncadd.s32 $0xFFFFC000  }
0x41: {  	_ =	swait.ge [sflag:s19], $0x4000  }
0x42: {  	[sflag:s19] =	ssyncset.done $0x0  }
0x43: {  	[sflag:s19] =	ssyncadd.s32 $0xFFFFC000  }
0x44: {  	_ =	swait.ge [sflag:s19], $0x4000  }
0x45: {  	[sflag:s19] =	ssyncset.done $0x0  }
0x46: {  	[sflag:s19] =	ssyncadd.s32 $0xFFFFC000  }
0x47: {  	_ =	swait.ge [sflag:s19], $0x4000  }
0x48: {  	[sflag:s19] =	ssyncset.done $0x0  }
0x49: {  	[sflag:s19] =	ssyncadd.s32 $0xFFFFC000  }
0x4a: {  	_ =	swait.ge [sflag:s19], $0x4000  }
0x4b: {  	[sflag:s19] =	ssyncset.done $0x0  }
0x4c: {  	[sflag:s19] =	ssyncadd.s32 $0xFFFFC000  }
0x4d: {  	[bflag:$0x0] =	sbarrier.arrive $0xFFFF  }
0x4e: {  	[tilespmem:s16], [sflag:$0x1] =	stream.indirect.gather [hbm4b:s4+s20], $0x80, s25, s20, $0xb8;
	[tilespmem:$0x1E000] =	vst v63  }
0x4f: {  	s26 =	simm.s32 $0x10;
	s28 =	simm.s32 $0x0  }
0x50: {  	[tilespmem:s21], [sflag:$0x2] =	stream.indirect.gather [hbm4b:s4+s20], $0x80, s20, s20, $0xb8;
	[tilespmem:$0x1E000] =	vst v63  }
.LBB2_4:
0x51: {  	s29 =	sand.u32 $0x10, s26;
	p0 =	seq.s32 s28, $0x400  }
0x52: {  	s30 =	sshll.u32 @!p0 s29, $0x7;
	s31 =	sadd.s32 @!p0 s28, s14;
	s0 =	simm.s32 @!p0 $0x0  }
0x53: {  	[tilespmem:s30], [sflag:$0x3] =	stream.linear.gather @!p0 [hbm4b:s31+s0], $0x800, $0x38;
	[tilespmem:$0x1E000] =	vst v63  }
0x54: {  	s30 =	sor.u32 @!p0 $0x1000, s30;
	s31 =	sadd.s32 @!p0 s28, s15  }
0x55: {  	[tilespmem:s30], [sflag:$0x3] =	stream.linear.gather @!p0 [hbm4b:s31+s0], $0x800, $0x38;
	[tilespmem:$0x1E000] =	vst v63  }
0x56: {  	s31 =	sand.u32 $0x2000, s25;
	_ =	swait.ge [sflag:s22], $0x4000  }
0x57: {  	s30 =	sshrl.u32 s31, $0x2;
	[sflag:s22] =	ssyncset.done $0x0  }
0x58: {  	s18 =	sor.u32 $0x1000, s30;
	[sflag:s22] =	ssyncadd.s32 $0xFFFFC000  }
0x59: {  	[spmem:s1] =	stream.indirect.scatter.add.f32 [tilespmem:s16], [sflag:$0x4], $0x80, s18, s20, $0xb8;
	[tilespmem:$0x1E000] =	vst v63  }
0x5a: {  	_ =	swait.ge [sflag:s17], $0x4000  }
0x5b: {  	[sflag:s17] =	ssyncset.done $0x0  }
0x5c: {  	s18 =	sadd.s32 $0x100, s30;
	[sflag:s17] =	ssyncadd.s32 $0xFFFFC000  }
0x5d: {  	[tilespmem:s16], [sflag:$0x1] =	stream.indirect.gather [hbm4b:s4+s20], $0x80, s18, s20, $0xb8;
	[tilespmem:$0x1E000] =	vst v63  }
0x5e: {  	s18 =	sor.u32 $0x200, s31;
	_ =	swait.ge [sflag:s23], $0x4000  }
0x5f: {  	s0 =	sshrl.u32 s18, $0x2;
	[sflag:s23] =	ssyncset.done $0x0  }
0x60: {  	s18 =	sor.u32 $0x1000, s0;
	[sflag:s23] =	ssyncadd.s32 $0xFFFFC000  }
0x61: {  	[spmem:s1] =	stream.indirect.scatter.add.f32 [tilespmem:s21], [sflag:$0x4], $0x80, s18, s20, $0xb8;
	[tilespmem:$0x1E000] =	vst v63  }
0x62: {  	_ =	swait.ge [sflag:s17], $0x4000  }
0x63: {  	[sflag:s17] =	ssyncset.done $0x0  }
0x64: {  	s0 =	sadd.s32 $0x100, s0;
	[sflag:s17] =	ssyncadd.s32 $0xFFFFC000  }
0x65: {  	[tilespmem:s21], [sflag:$0x2] =	stream.indirect.gather [hbm4b:s4+s20], $0x80, s0, s20, $0xb8;
	[tilespmem:$0x1E000] =	vst v63  }
0x66: {  	s18 =	sor.u32 $0x400, s31;
	_ =	swait.ge [sflag:s22], $0x4000  }
0x67: {  	s0 =	sshrl.u32 s18, $0x2;
	[sflag:s22] =	ssyncset.done $0x0  }
0x68: {  	s18 =	sor.u32 $0x1000, s0;
	[sflag:s22] =	ssyncadd.s32 $0xFFFFC000  }
0x69: {  	[spmem:s1] =	stream.indirect.scatter.add.f32 [tilespmem:s16], [sflag:$0x4], $0x80, s18, s20, $0xb8;
	[tilespmem:$0x1E000] =	vst v63  }
0x6a: {  	_ =	swait.ge [sflag:s17], $0x4000  }
0x6b: {  	[sflag:s17] =	ssyncset.done $0x0  }
0x6c: {  	s0 =	sadd.s32 $0x100, s0;
	[sflag:s17] =	ssyncadd.s32 $0xFFFFC000  }
0x6d: {  	[tilespmem:s16], [sflag:$0x1] =	stream.indirect.gather [hbm4b:s4+s20], $0x80, s0, s20, $0xb8;
	[tilespmem:$0x1E000] =	vst v63  }
0x6e: {  	s18 =	sor.u32 $0x600, s31;
	_ =	swait.ge [sflag:s23], $0x4000  }
0x6f: {  	s0 =	sshrl.u32 s18, $0x2;
	[sflag:s23] =	ssyncset.done $0x0  }
0x70: {  	s18 =	sor.u32 $0x1000, s0;
	[sflag:s23] =	ssyncadd.s32 $0xFFFFC000  }
0x71: {  	[spmem:s1] =	stream.indirect.scatter.add.f32 [tilespmem:s21], [sflag:$0x4], $0x80, s18, s20, $0xb8;
	[tilespmem:$0x1E000] =	vst v63  }
0x72: {  	_ =	swait.ge [sflag:s17], $0x4000  }
0x73: {  	[sflag:s17] =	ssyncset.done $0x0  }
0x74: {  	s0 =	sadd.s32 $0x100, s0;
	[sflag:s17] =	ssyncadd.s32 $0xFFFFC000  }
0x75: {  	[tilespmem:s21], [sflag:$0x2] =	stream.indirect.gather [hbm4b:s4+s20], $0x80, s0, s20, $0xb8;
	[tilespmem:$0x1E000] =	vst v63  }
0x76: {  	s18 =	sor.u32 $0x800, s31;
	_ =	swait.ge [sflag:s22], $0x4000  }
0x77: {  	s0 =	sshrl.u32 s18, $0x2;
	[sflag:s22] =	ssyncset.done $0x0  }
0x78: {  	s18 =	sor.u32 $0x1000, s0;
	[sflag:s22] =	ssyncadd.s32 $0xFFFFC000  }
0x79: {  	[spmem:s1] =	stream.indirect.scatter.add.f32 [tilespmem:s16], [sflag:$0x4], $0x80, s18, s20, $0xb8;
	[tilespmem:$0x1E000] =	vst v63  }
0x7a: {  	_ =	swait.ge [sflag:s17], $0x4000  }
0x7b: {  	[sflag:s17] =	ssyncset.done $0x0  }
0x7c: {  	s0 =	sadd.s32 $0x100, s0;
	[sflag:s17] =	ssyncadd.s32 $0xFFFFC000  }
0x7d: {  	[tilespmem:s16], [sflag:$0x1] =	stream.indirect.gather [hbm4b:s4+s20], $0x80, s0, s20, $0xb8;
	[tilespmem:$0x1E000] =	vst v63  }
0x7e: {  	s18 =	sor.u32 $0xA00, s31;
	_ =	swait.ge [sflag:s23], $0x4000  }
0x7f: {  	s0 =	sshrl.u32 s18, $0x2;
	[sflag:s23] =	ssyncset.done $0x0  }
0x80: {  	s18 =	sor.u32 $0x1000, s0;
	[sflag:s23] =	ssyncadd.s32 $0xFFFFC000  }
0x81: {  	[spmem:s1] =	stream.indirect.scatter.add.f32 [tilespmem:s21], [sflag:$0x4], $0x80, s18, s20, $0xb8;
	[tilespmem:$0x1E000] =	vst v63  }
0x82: {  	_ =	swait.ge [sflag:s17], $0x4000  }
0x83: {  	[sflag:s17] =	ssyncset.done $0x0  }
0x84: {  	s0 =	sadd.s32 $0x100, s0;
	[sflag:s17] =	ssyncadd.s32 $0xFFFFC000  }
0x85: {  	[tilespmem:s21], [sflag:$0x2] =	stream.indirect.gather [hbm4b:s4+s20], $0x80, s0, s20, $0xb8;
	[tilespmem:$0x1E000] =	vst v63  }
0x86: {  	s18 =	sor.u32 $0xC00, s31;
	_ =	swait.ge [sflag:s22], $0x4000  }
0x87: {  	s0 =	sshrl.u32 s18, $0x2;
	[sflag:s22] =	ssyncset.done $0x0  }
0x88: {  	s18 =	sor.u32 $0x1000, s0;
	[sflag:s22] =	ssyncadd.s32 $0xFFFFC000  }
0x89: {  	[spmem:s1] =	stream.indirect.scatter.add.f32 [tilespmem:s16], [sflag:$0x4], $0x80, s18, s20, $0xb8;
	[tilespmem:$0x1E000] =	vst v63  }
0x8a: {  	_ =	swait.ge [sflag:s17], $0x4000  }
0x8b: {  	[sflag:s17] =	ssyncset.done $0x0  }
0x8c: {  	s0 =	sadd.s32 $0x100, s0;
	[sflag:s17] =	ssyncadd.s32 $0xFFFFC000  }
0x8d: {  	[tilespmem:s16], [sflag:$0x1] =	stream.indirect.gather [hbm4b:s4+s20], $0x80, s0, s20, $0xb8;
	[tilespmem:$0x1E000] =	vst v63  }
0x8e: {  	s18 =	sor.u32 $0xE00, s31;
	_ =	swait.ge [sflag:s23], $0x4000  }
0x8f: {  	s0 =	sshrl.u32 s18, $0x2;
	[sflag:s23] =	ssyncset.done $0x0  }
0x90: {  	s18 =	sor.u32 $0x1000, s0;
	[sflag:s23] =	ssyncadd.s32 $0xFFFFC000  }
0x91: {  	[spmem:s1] =	stream.indirect.scatter.add.f32 [tilespmem:s21], [sflag:$0x4], $0x80, s18, s20, $0xb8;
	[tilespmem:$0x1E000] =	vst v63  }
0x92: {  	_ =	swait.ge [sflag:s17], $0x4000  }
0x93: {  	[sflag:s17] =	ssyncset.done $0x0  }
0x94: {  	s0 =	sadd.s32 $0x100, s0;
	[sflag:s17] =	ssyncadd.s32 $0xFFFFC000  }
0x95: {  	[tilespmem:s21], [sflag:$0x2] =	stream.indirect.gather [hbm4b:s4+s20], $0x80, s0, s20, $0xb8;
	[tilespmem:$0x1E000] =	vst v63  }
0x96: {  	s18 =	sor.u32 $0x1000, s31;
	_ =	swait.ge [sflag:s22], $0x4000  }
0x97: {  	s0 =	sshrl.u32 s18, $0x2;
	[sflag:s22] =	ssyncset.done $0x0  }
0x98: {  	s18 =	sor.u32 $0x1000, s0;
	[sflag:s22] =	ssyncadd.s32 $0xFFFFC000  }
0x99: {  	[spmem:s1] =	stream.indirect.scatter.add.f32 [tilespmem:s16], [sflag:$0x4], $0x80, s18, s20, $0xb8;
	[tilespmem:$0x1E000] =	vst v63  }
0x9a: {  	_ =	swait.ge [sflag:s17], $0x4000  }
0x9b: {  	[sflag:s17] =	ssyncset.done $0x0  }
0x9c: {  	s0 =	sadd.s32 $0x100, s0;
	[sflag:s17] =	ssyncadd.s32 $0xFFFFC000  }
0x9d: {  	[tilespmem:s16], [sflag:$0x1] =	stream.indirect.gather [hbm4b:s4+s20], $0x80, s0, s20, $0xb8;
	[tilespmem:$0x1E000] =	vst v63  }
0x9e: {  	s18 =	sor.u32 $0x1200, s31;
	_ =	swait.ge [sflag:s23], $0x4000  }
0x9f: {  	s0 =	sshrl.u32 s18, $0x2;
	[sflag:s23] =	ssyncset.done $0x0  }
0xa0: {  	s18 =	sor.u32 $0x1000, s0;
	[sflag:s23] =	ssyncadd.s32 $0xFFFFC000  }
0xa1: {  	[spmem:s1] =	stream.indirect.scatter.add.f32 [tilespmem:s21], [sflag:$0x4], $0x80, s18, s20, $0xb8;
	[tilespmem:$0x1E000] =	vst v63  }
0xa2: {  	_ =	swait.ge [sflag:s17], $0x4000  }
0xa3: {  	[sflag:s17] =	ssyncset.done $0x0  }
0xa4: {  	s0 =	sadd.s32 $0x100, s0;
	[sflag:s17] =	ssyncadd.s32 $0xFFFFC000  }
0xa5: {  	[tilespmem:s21], [sflag:$0x2] =	stream.indirect.gather [hbm4b:s4+s20], $0x80, s0, s20, $0xb8;
	[tilespmem:$0x1E000] =	vst v63  }
0xa6: {  	s18 =	sor.u32 $0x1400, s31;
	_ =	swait.ge [sflag:s22], $0x4000  }
0xa7: {  	s0 =	sshrl.u32 s18, $0x2;
	[sflag:s22] =	ssyncset.done $0x0  }
0xa8: {  	s18 =	sor.u32 $0x1000, s0;
	[sflag:s22] =	ssyncadd.s32 $0xFFFFC000  }
0xa9: {  	[spmem:s1] =	stream.indirect.scatter.add.f32 [tilespmem:s16], [sflag:$0x4], $0x80, s18, s20, $0xb8;
	[tilespmem:$0x1E000] =	vst v63  }
0xaa: {  	_ =	swait.ge [sflag:s17], $0x4000  }
0xab: {  	[sflag:s17] =	ssyncset.done $0x0  }
0xac: {  	s0 =	sadd.s32 $0x100, s0;
	[sflag:s17] =	ssyncadd.s32 $0xFFFFC000  }
0xad: {  	[tilespmem:s16], [sflag:$0x1] =	stream.indirect.gather [hbm4b:s4+s20], $0x80, s0, s20, $0xb8;
	[tilespmem:$0x1E000] =	vst v63  }
0xae: {  	s18 =	sor.u32 $0x1600, s31;
	_ =	swait.ge [sflag:s23], $0x4000  }
0xaf: {  	s0 =	sshrl.u32 s18, $0x2;
	[sflag:s23] =	ssyncset.done $0x0  }
0xb0: {  	s18 =	sor.u32 $0x1000, s0;
	[sflag:s23] =	ssyncadd.s32 $0xFFFFC000  }
0xb1: {  	[spmem:s1] =	stream.indirect.scatter.add.f32 [tilespmem:s21], [sflag:$0x4], $0x80, s18, s20, $0xb8;
	[tilespmem:$0x1E000] =	vst v63  }
0xb2: {  	_ =	swait.ge [sflag:s17], $0x4000  }
0xb3: {  	[sflag:s17] =	ssyncset.done $0x0  }
0xb4: {  	s0 =	sadd.s32 $0x100, s0;
	[sflag:s17] =	ssyncadd.s32 $0xFFFFC000  }
0xb5: {  	[tilespmem:s21], [sflag:$0x2] =	stream.indirect.gather [hbm4b:s4+s20], $0x80, s0, s20, $0xb8;
	[tilespmem:$0x1E000] =	vst v63  }
0xb6: {  	s18 =	sor.u32 $0x1800, s31;
	_ =	swait.ge [sflag:s22], $0x4000  }
0xb7: {  	s0 =	sshrl.u32 s18, $0x2;
	[sflag:s22] =	ssyncset.done $0x0  }
0xb8: {  	s18 =	sor.u32 $0x1000, s0;
	[sflag:s22] =	ssyncadd.s32 $0xFFFFC000  }
0xb9: {  	[spmem:s1] =	stream.indirect.scatter.add.f32 [tilespmem:s16], [sflag:$0x4], $0x80, s18, s20, $0xb8;
	[tilespmem:$0x1E000] =	vst v63  }
0xba: {  	_ =	swait.ge [sflag:s17], $0x4000  }
0xbb: {  	[sflag:s17] =	ssyncset.done $0x0  }
0xbc: {  	s0 =	sadd.s32 $0x100, s0;
	[sflag:s17] =	ssyncadd.s32 $0xFFFFC000  }
0xbd: {  	[tilespmem:s16], [sflag:$0x1] =	stream.indirect.gather [hbm4b:s4+s20], $0x80, s0, s20, $0xb8;
	[tilespmem:$0x1E000] =	vst v63  }
0xbe: {  	s18 =	sor.u32 $0x1A00, s31;
	_ =	swait.ge [sflag:s23], $0x4000  }
0xbf: {  	s0 =	sshrl.u32 s18, $0x2;
	[sflag:s23] =	ssyncset.done $0x0  }
0xc0: {  	s31 =	sor.u32 $0x1000, s0;
	[sflag:s23] =	ssyncadd.s32 $0xFFFFC000  }
0xc1: {  	[spmem:s1] =	stream.indirect.scatter.add.f32 [tilespmem:s21], [sflag:$0x4], $0x80, s31, s20, $0xb8;
	[tilespmem:$0x1E000] =	vst v63  }
0xc2: {  	_ =	swait.ge [sflag:s17], $0x4000  }
0xc3: {  	[sflag:s17] =	ssyncset.done $0x0  }
0xc4: {  	s0 =	sadd.s32 $0x100, s0;
	[sflag:s17] =	ssyncadd.s32 $0xFFFFC000  }
0xc5: {  	[tilespmem:s21], [sflag:$0x2] =	stream.indirect.gather [hbm4b:s4+s20], $0x80, s0, s20, $0xb8;
	[tilespmem:$0x1E000] =	vst v63  }
0xc6: {  	_ =	swait.ge [sflag:s22], $0x4000  }
0xc7: {  	p0 =	sne.s32 s28, $0x400;
	[sflag:s22] =	ssyncset.done $0x0  }
.Ltmp3:
0xc8: {  	s31 =	sadd.s32 $0x1700, s30;
	[sflag:s22] =	ssyncadd.s32 $0xFFFFC000;
	(pc) =	sbr.rel @!p0 .LBB2_5-.Ltmp3, $4  }
0xc9: {  	[spmem:s1] =	stream.indirect.scatter.add.f32 [tilespmem:s16], [sflag:$0x4], $0x80, s31, s20, $0xb8;
	[tilespmem:$0x1E000] =	vst v63  }
0xca: {  	_ =	swait.ge [sflag:s17], $0x4000  }
0xcb: {  	[sflag:s17] =	ssyncset.done $0x0  }
0xcc: {  	[sflag:s17] =	ssyncadd.s32 $0xFFFFC000  }
0xcd: {  	_ =	swait.ge [sflag:s19], $0x800  }
0xce: {  	[sflag:s19] =	ssyncset.done $0x0  }
0xcf: {  	[sflag:s19] =	ssyncadd.s32 $0xFFFFF800  }
0xd0: {  	_ =	swait.ge [sflag:s19], $0x800  }
0xd1: {  	[sflag:s19] =	ssyncset.done $0x0  }
0xd2: {  	s0 =	sshll.u32 s29, $0x7;
	[sflag:s19] =	ssyncadd.s32 $0xFFFFF800  }
0xd3: {  	[tilespmem:s16], [sflag:$0x1] =	stream.indirect.gather [hbm4b:s4+s20], $0x80, s0, s20, $0xb8;
	[tilespmem:$0x1E000] =	vst v63  }
0xd4: {  	_ =	swait.ge [sflag:s23], $0x4000  }
0xd5: {  	s28 =	sadd.s32 $0x100, s28;
	[sflag:s23] =	ssyncset.done $0x0  }
0xd6: {  	s18 =	sadd.s32 $0x1780, s30;
	p0 =	sne.s32 s28, $0x500;
	[sflag:s23] =	ssyncadd.s32 $0xFFFFC000  }
0xd7: {  	[spmem:s1] =	stream.indirect.scatter.add.f32 [tilespmem:s21], [sflag:$0x4], $0x80, s18, s20, $0xb8;
	[tilespmem:$0x1E000] =	vst v63  }
.Ltmp4:
0xd8: {  	_ = 	snop;
	(pc) =	sbr.rel @p0 .LBB2_4-.Ltmp4, $4  }
.Ltmp5:
0xd9: {  	_ =	swait.ge [sflag:s17], $0x4000;
	(pc) =	sbr.rel @!p0 .LBB2_7-.Ltmp5, $4  }
0xda: {  	s26 =	sadd.s32 $0x10, s26;
	[sflag:s17] =	ssyncset.done $0x0  }
0xdb: {  	s25 =	sadd.s32 $0x2000, s25;
	s0 =	sadd.s32 $0x80, s0;
	[sflag:s17] =	ssyncadd.s32 $0xFFFFC000  }
0xdc: {  	[tilespmem:s21], [sflag:$0x2] =	stream.indirect.gather [hbm4b:s4+s20], $0x80, s0, s20, $0xb8;
	[tilespmem:$0x1E000] =	vst v63  }
0xdd: {  	_ = 	snop  }
.LBB2_8:
0xde: {  	_ =	sfence.sel $0x180000  }
0xdf: {  	[bflag:$0x0] =	sbarrier.arrive $0xFFFF  }
0xe0: {  	_ =	strace $0x9000004A  }
0xe1: {  	[bflag:$0x2] =	sbarrier.arrive $0xFFFF  }
0xe2: {  	p0 =	sne.s32 s2, $0x0;
	s0 =	rddreg [dreg:$0x3]  }
0xe3: {  	s0 =	sadd.s32 @!p0 $0x100000, s0  }
0xe4: {  	[sflag:s0] =	ssyncadd.tile.s32 @!p0 $0x1;
	_ =	shalt  }
.Lfunc_end2:
_tile_overlayer_lowered:
.L_overlay_start_2:
0xe5: {  	(tag) =	ssettag $0x2  }
0xe6: {  	s0 =	rddreg [dreg:$0x0];
	s2 =	stileid.u32  }
0xe7: {  	s1 =	rddreg [dreg:$0x1];
	p0 =	sne.s32 s2, $0x0  }
0xe8: {  	s3 =	rddreg [dreg:$0x2];
	[bflag:$0x3] =	sbarrier.arrive $0xFFFF;
	s2 =	simm.s32 @!p0 $0x1C04  }
0xe9: {  	[timem:s3], [sflag:s2] =	dma.local @!p0 [hbm:s0], s1  }
0xea: {  	s0 =	simm.s32 @!p0 $0x4  }
0xeb: {  	_ =	swait.ge @!p0 [sflag:s0], s1  }
0xec: {  	s1 =	ssub.s32 @!p0 $0x0, s1;
	[sflag:s0] =	ssyncset.done @!p0 $0x0  }
0xed: {  	[sflag:s0] =	ssyncadd.s32 @!p0 s1  }
0xee: {  	[bflag:$0x3] =	sbarrier.arrive $0xFFFF  }
0xef: {  	_ =	shalt  }

</sc_bundles>
